<compile_context>
chip_gen: v7x
topology: tpu7x:2x2x1
jax: 0.10.2.dev20260603
libtpu: 0.0.44.dev20260713+nightly
codegen_flags: <defaults>
</compile_context>

<pallas_src>
import jax
import jax.numpy as jnp
from jax import lax
from jax.experimental import pallas as pl
from jax.experimental.pallas import tpu as pltpu
from jax.experimental.pallas import tpu_sc as plsc

VOCAB_SIZE = 100000
D_MODEL = 128
MAX_POS = 2048
BATCH = 4
SEQ_LEN = 2048

_NUM_WORKERS = 32
_SBLK = SEQ_LEN // _NUM_WORKERS
_LANES = 16
_NPAIR = BATCH // 2


def _emb_kernel(x_hbm, tok_hbm, pos_hbm, out_hbm, idx_v, tok_v, pos_v,
                sem_g, sem_w, sem_p, sem_i):
    wid = lax.axis_index("s") * 2 + lax.axis_index("c")
    s_base = wid * _SBLK

    idx_cps = [
        pltpu.async_copy(
            x_hbm.at[b, pl.ds(s_base, _SBLK)],
            idx_v.at[b // 2, pl.ds((b % 2) * _SBLK, _SBLK)],
            sem_i,
        )
        for b in range(BATCH)
    ]
    gathers = []
    for p in range(_NPAIR):
        idx_cps[2 * p].wait()
        idx_cps[2 * p + 1].wait()
        gathers.append(
            pltpu.async_copy(
                tok_hbm.at[idx_v.at[p]],
                tok_v.at[pl.ds(p * 2 * _SBLK, 2 * _SBLK)],
                sem_g.at[p],
            )
        )

    pltpu.async_copy(pos_hbm.at[pl.ds(s_base, _SBLK)], pos_v, sem_p).wait()

    writes = []
    for p in range(_NPAIR):
        gathers[p].wait()

        @pl.loop(0, _SBLK, unroll=1)
        def _add_row(r):
            t0 = p * 2 * _SBLK + r
            for j in range(D_MODEL // _LANES):
                sl = pl.ds(j * _LANES, _LANES)
                v = pos_v[r, sl]
                plsc.addupdate(tok_v.at[t0, sl], v)
                plsc.addupdate(tok_v.at[t0 + _SBLK, sl], v)

        for h in range(2):
            b = p * 2 + h
            writes.append(
                pltpu.async_copy(
                    tok_v.at[pl.ds(b * _SBLK, _SBLK)],
                    out_hbm.at[pl.ds(b * SEQ_LEN + s_base, _SBLK)],
                    sem_w.at[b],
                )
            )

    for w in writes:
        w.wait()


@jax.jit
def kernel(x, token_emb, pos_emb):
    mesh = plsc.VectorSubcoreMesh(core_axis_name="c", subcore_axis_name="s")
    run = pl.kernel(
        _emb_kernel,
        out_type=jax.ShapeDtypeStruct((BATCH * SEQ_LEN, D_MODEL), jnp.float32),
        mesh=mesh,
        scratch_types=[
            pltpu.VMEM((_NPAIR, 2 * _SBLK), jnp.int32),
            pltpu.VMEM((BATCH * _SBLK, D_MODEL), jnp.float32),
            pltpu.VMEM((_SBLK, D_MODEL), jnp.float32),
            pltpu.SemaphoreType.DMA((_NPAIR,)),
            pltpu.SemaphoreType.DMA((BATCH,)),
            pltpu.SemaphoreType.DMA,
            pltpu.SemaphoreType.DMA,
        ],
    )
    out = run(x, token_emb, pos_emb)
    return out.reshape(BATCH, SEQ_LEN, D_MODEL)

# --- scband reference (transcript-rebuilt; emitter-appended) ---
"""Pipeline reference for scband-positional-embedding-69492570849320 (READ-ONLY COPY).

The authoritative reference and input builder live on the scoring server;
editing this copy changes nothing except your own understanding.
"""

import jax, jax.numpy as jnp
import numpy as np

VOCAB_SIZE = 100000
D_MODEL = 128
MAX_POS = 2048
BATCH = 4
SEQ_LEN = 2048


def setup_inputs(seed: int = 0) -> dict:
    key = jax.random.key(seed)
    k1, k2, k3 = jax.random.split(key, 3)
    x = jax.random.randint(k1, (BATCH, SEQ_LEN), 0, VOCAB_SIZE, dtype=jnp.int32)
    # Keras Embedding default initializer is uniform(-0.05, 0.05)
    token_emb = jax.random.uniform(k2, (VOCAB_SIZE, D_MODEL), dtype=jnp.float32, minval=-0.05, maxval=0.05)
    pos_emb = jax.random.uniform(k3, (MAX_POS, D_MODEL), dtype=jnp.float32, minval=-0.05, maxval=0.05)
    return {"x": x, "token_emb": token_emb, "pos_emb": pos_emb}


def reference(x, token_emb, pos_emb):
    maxlen = x.shape[-1]
    positions = jnp.arange(0, maxlen, 1)
    pos = jnp.take(pos_emb, positions, axis=0)          # [maxlen, d_model]
    tok = jnp.take(token_emb, x, axis=0)                # [B, maxlen, d_model]
    return tok + pos

if __name__ == "__main__":
    import jax
    _d = setup_inputs()
    print(jax.jit(kernel)(*tuple(_d.values())))

</pallas_src>

<mosaic_0001>
#map = affine_map<(d0, d1) -> (0, 0)>
module attributes {stable_mosaic.version = 14 : i64} {
  func.func @_emb_kernel(%arg0: i32, %arg1: i32, %arg2: memref<4x2048xi32, #tpu.memory_space<hbm>>, %arg3: memref<100000x128xf32, #tpu.memory_space<hbm>>, %arg4: memref<2048x128xf32, #tpu.memory_space<hbm>>, %arg5: memref<8192x128xf32, #tpu.memory_space<hbm>>, %arg6: memref<2x128xi32, #tpu.memory_space<vmem>>, %arg7: memref<256x128xf32, #tpu.memory_space<vmem>>, %arg8: memref<64x128xf32, #tpu.memory_space<vmem>>, %arg9: memref<2x!tpu.dma_semaphore, #tpu.memory_space<semaphore_mem>>, %arg10: memref<4x!tpu.dma_semaphore, #tpu.memory_space<semaphore_mem>>, %arg11: memref<!tpu.dma_semaphore, #tpu.memory_space<semaphore_mem>>, %arg12: memref<!tpu.dma_semaphore, #tpu.memory_space<semaphore_mem>>) attributes {dimension_semantics = [#tpu.dimension_semantics<core_parallel>, #tpu.dimension_semantics<subcore_parallel>], iteration_bounds = array<i64: 2, 16>, scalar_prefetch = 0 : i64, scratch_operands = 7 : i64, tpu.core_type = #tpu.core_type<sc_vector_subcore>, window_params = [{transform_indices = #map}, {transform_indices = #map}, {transform_indices = #map}, {transform_indices = #map}]} {
    %mul3A = arith.constant 2 : i32
    %mul3A_0 = arith.muli %arg1, %mul3A : i32
    %add3A = arith.addi %mul3A_0, %arg0 : i32
    %mul3A_1 = arith.constant 64 : i32
    %mul3A_2 = arith.muli %add3A, %mul3A_1 : i32
    %dma_start3A = arith.constant 0 : i32
    %dma_start3A_3 = arith.constant 0 : i32
    %dma_start3A_4 = arith.constant 0 : i32
    %dma_start3A_5 = tpu.memref_slice %arg6[%dma_start3A_3, %dma_start3A_4] : memref<2x128xi32, #tpu.memory_space<vmem>> -> memref<1x64xi32, #tpu.memory_space<vmem>>
    %dma_start3A_6 = tpu.memref_squeeze %dma_start3A_5 : memref<1x64xi32, #tpu.memory_space<vmem>> -> memref<64xi32, #tpu.memory_space<vmem>>
    %dma_start3A_7 = tpu.memref_slice %arg2[%dma_start3A, %mul3A_2] : memref<4x2048xi32, #tpu.memory_space<hbm>> -> memref<1x64xi32, #tpu.memory_space<hbm>>
    %dma_start3A_8 = tpu.memref_squeeze %dma_start3A_7 : memref<1x64xi32, #tpu.memory_space<hbm>> -> memref<64xi32, #tpu.memory_space<hbm>>
    %dma_start3A_9 = arith.constant 0 : i32
    %dma_start3A_10 = tpu.memref_slice %arg6[%dma_start3A_3, %dma_start3A_9] : memref<2x128xi32, #tpu.memory_space<vmem>> -> memref<1x64xi32, #tpu.memory_space<vmem>>
    %dma_start3A_11 = tpu.memref_squeeze %dma_start3A_10 : memref<1x64xi32, #tpu.memory_space<vmem>> -> memref<64xi32, #tpu.memory_space<vmem>>
    %dma_start3A_12 = tpu.memref_slice %arg2[%dma_start3A, %mul3A_2] : memref<4x2048xi32, #tpu.memory_space<hbm>> -> memref<1x64xi32, #tpu.memory_space<hbm>>
    %dma_start3A_13 = tpu.memref_squeeze %dma_start3A_12 : memref<1x64xi32, #tpu.memory_space<hbm>> -> memref<64xi32, #tpu.memory_space<hbm>>
    tpu.enqueue_dma source(%dma_start3A_13 : memref<64xi32, #tpu.memory_space<hbm>>) target(%dma_start3A_11 : memref<64xi32, #tpu.memory_space<vmem>>) target_semaphore(%arg12 : memref<!tpu.dma_semaphore, #tpu.memory_space<semaphore_mem>>)
    %dma_start3A_14 = arith.constant 1 : i32
    %dma_start3A_15 = arith.constant 0 : i32
    %dma_start3A_16 = arith.constant 64 : i32
    %dma_start3A_17 = tpu.memref_slice %arg6[%dma_start3A_15, %dma_start3A_16] : memref<2x128xi32, #tpu.memory_space<vmem>> -> memref<1x64xi32, #tpu.memory_space<vmem>>
    %dma_start3A_18 = tpu.memref_squeeze %dma_start3A_17 : memref<1x64xi32, #tpu.memory_space<vmem>> -> memref<64xi32, #tpu.memory_space<vmem>>
    %dma_start3A_19 = tpu.memref_slice %arg2[%dma_start3A_14, %mul3A_2] : memref<4x2048xi32, #tpu.memory_space<hbm>> -> memref<1x64xi32, #tpu.memory_space<hbm>>
    %dma_start3A_20 = tpu.memref_squeeze %dma_start3A_19 : memref<1x64xi32, #tpu.memory_space<hbm>> -> memref<64xi32, #tpu.memory_space<hbm>>
    %dma_start3A_21 = arith.constant 64 : i32
    %dma_start3A_22 = tpu.memref_slice %arg6[%dma_start3A_15, %dma_start3A_21] : memref<2x128xi32, #tpu.memory_space<vmem>> -> memref<1x64xi32, #tpu.memory_space<vmem>>
    %dma_start3A_23 = tpu.memref_squeeze %dma_start3A_22 : memref<1x64xi32, #tpu.memory_space<vmem>> -> memref<64xi32, #tpu.memory_space<vmem>>
    %dma_start3A_24 = tpu.memref_slice %arg2[%dma_start3A_14, %mul3A_2] : memref<4x2048xi32, #tpu.memory_space<hbm>> -> memref<1x64xi32, #tpu.memory_space<hbm>>
    %dma_start3A_25 = tpu.memref_squeeze %dma_start3A_24 : memref<1x64xi32, #tpu.memory_space<hbm>> -> memref<64xi32, #tpu.memory_space<hbm>>
    tpu.enqueue_dma source(%dma_start3A_25 : memref<64xi32, #tpu.memory_space<hbm>>) target(%dma_start3A_23 : memref<64xi32, #tpu.memory_space<vmem>>) target_semaphore(%arg12 : memref<!tpu.dma_semaphore, #tpu.memory_space<semaphore_mem>>)
    %dma_start3A_26 = arith.constant 2 : i32
    %dma_start3A_27 = arith.constant 1 : i32
    %dma_start3A_28 = arith.constant 0 : i32
    %dma_start3A_29 = tpu.memref_slice %arg6[%dma_start3A_27, %dma_start3A_28] : memref<2x128xi32, #tpu.memory_space<vmem>> -> memref<1x64xi32, #tpu.memory_space<vmem>>
    %dma_start3A_30 = tpu.memref_squeeze %dma_start3A_29 : memref<1x64xi32, #tpu.memory_space<vmem>> -> memref<64xi32, #tpu.memory_space<vmem>>
    %dma_start3A_31 = tpu.memref_slice %arg2[%dma_start3A_26, %mul3A_2] : memref<4x2048xi32, #tpu.memory_space<hbm>> -> memref<1x64xi32, #tpu.memory_space<hbm>>
    %dma_start3A_32 = tpu.memref_squeeze %dma_start3A_31 : memref<1x64xi32, #tpu.memory_space<hbm>> -> memref<64xi32, #tpu.memory_space<hbm>>
    %dma_start3A_33 = arith.constant 0 : i32
    %dma_start3A_34 = tpu.memref_slice %arg6[%dma_start3A_27, %dma_start3A_33] : memref<2x128xi32, #tpu.memory_space<vmem>> -> memref<1x64xi32, #tpu.memory_space<vmem>>
    %dma_start3A_35 = tpu.memref_squeeze %dma_start3A_34 : memref<1x64xi32, #tpu.memory_space<vmem>> -> memref<64xi32, #tpu.memory_space<vmem>>
    %dma_start3A_36 = tpu.memref_slice %arg2[%dma_start3A_26, %mul3A_2] : memref<4x2048xi32, #tpu.memory_space<hbm>> -> memref<1x64xi32, #tpu.memory_space<hbm>>
    %dma_start3A_37 = tpu.memref_squeeze %dma_start3A_36 : memref<1x64xi32, #tpu.memory_space<hbm>> -> memref<64xi32, #tpu.memory_space<hbm>>
    tpu.enqueue_dma source(%dma_start3A_37 : memref<64xi32, #tpu.memory_space<hbm>>) target(%dma_start3A_35 : memref<64xi32, #tpu.memory_space<vmem>>) target_semaphore(%arg12 : memref<!tpu.dma_semaphore, #tpu.memory_space<semaphore_mem>>)
    %dma_start3A_38 = arith.constant 3 : i32
    %dma_start3A_39 = arith.constant 1 : i32
    %dma_start3A_40 = arith.constant 64 : i32
    %dma_start3A_41 = tpu.memref_slice %arg6[%dma_start3A_39, %dma_start3A_40] : memref<2x128xi32, #tpu.memory_space<vmem>> -> memref<1x64xi32, #tpu.memory_space<vmem>>
    %dma_start3A_42 = tpu.memref_squeeze %dma_start3A_41 : memref<1x64xi32, #tpu.memory_space<vmem>> -> memref<64xi32, #tpu.memory_space<vmem>>
    %dma_start3A_43 = tpu.memref_slice %arg2[%dma_start3A_38, %mul3A_2] : memref<4x2048xi32, #tpu.memory_space<hbm>> -> memref<1x64xi32, #tpu.memory_space<hbm>>
    %dma_start3A_44 = tpu.memref_squeeze %dma_start3A_43 : memref<1x64xi32, #tpu.memory_space<hbm>> -> memref<64xi32, #tpu.memory_space<hbm>>
    %dma_start3A_45 = arith.constant 64 : i32
    %dma_start3A_46 = tpu.memref_slice %arg6[%dma_start3A_39, %dma_start3A_45] : memref<2x128xi32, #tpu.memory_space<vmem>> -> memref<1x64xi32, #tpu.memory_space<vmem>>
    %dma_start3A_47 = tpu.memref_squeeze %dma_start3A_46 : memref<1x64xi32, #tpu.memory_space<vmem>> -> memref<64xi32, #tpu.memory_space<vmem>>
    %dma_start3A_48 = tpu.memref_slice %arg2[%dma_start3A_38, %mul3A_2] : memref<4x2048xi32, #tpu.memory_space<hbm>> -> memref<1x64xi32, #tpu.memory_space<hbm>>
    %dma_start3A_49 = tpu.memref_squeeze %dma_start3A_48 : memref<1x64xi32, #tpu.memory_space<hbm>> -> memref<64xi32, #tpu.memory_space<hbm>>
    tpu.enqueue_dma source(%dma_start3A_49 : memref<64xi32, #tpu.memory_space<hbm>>) target(%dma_start3A_47 : memref<64xi32, #tpu.memory_space<vmem>>) target_semaphore(%arg12 : memref<!tpu.dma_semaphore, #tpu.memory_space<semaphore_mem>>)
    %dma_wait3A = arith.constant 0 : i32
    %dma_wait3A_50 = arith.constant 0 : i32
    %dma_wait3A_51 = arith.constant 0 : i32
    %dma_wait3A_52 = tpu.memref_slice %arg6[%dma_wait3A_50, %dma_wait3A_51] : memref<2x128xi32, #tpu.memory_space<vmem>> -> memref<1x64xi32, #tpu.memory_space<vmem>>
    %dma_wait3A_53 = tpu.memref_squeeze %dma_wait3A_52 : memref<1x64xi32, #tpu.memory_space<vmem>> -> memref<64xi32, #tpu.memory_space<vmem>>
    %dma_wait3A_54 = tpu.memref_slice %arg2[%dma_wait3A, %mul3A_2] : memref<4x2048xi32, #tpu.memory_space<hbm>> -> memref<1x64xi32, #tpu.memory_space<hbm>>
    %dma_wait3A_55 = tpu.memref_squeeze %dma_wait3A_54 : memref<1x64xi32, #tpu.memory_space<hbm>> -> memref<64xi32, #tpu.memory_space<hbm>>
    %dma_wait3A_56 = arith.constant 0 : i32
    %dma_wait3A_57 = tpu.memref_slice %arg6[%dma_wait3A_50, %dma_wait3A_56] : memref<2x128xi32, #tpu.memory_space<vmem>> -> memref<1x64xi32, #tpu.memory_space<vmem>>
    %dma_wait3A_58 = tpu.memref_squeeze %dma_wait3A_57 : memref<1x64xi32, #tpu.memory_space<vmem>> -> memref<64xi32, #tpu.memory_space<vmem>>
    %dma_wait3A_59 = tpu.memref_slice %arg2[%dma_wait3A, %mul3A_2] : memref<4x2048xi32, #tpu.memory_space<hbm>> -> memref<1x64xi32, #tpu.memory_space<hbm>>
    %dma_wait3A_60 = tpu.memref_squeeze %dma_wait3A_59 : memref<1x64xi32, #tpu.memory_space<hbm>> -> memref<64xi32, #tpu.memory_space<hbm>>
    tpu.wait_dma2 semaphore(%arg12 : memref<!tpu.dma_semaphore, #tpu.memory_space<semaphore_mem>>) src(%dma_wait3A_60 : memref<64xi32, #tpu.memory_space<hbm>>) dst(%dma_wait3A_58 : memref<64xi32, #tpu.memory_space<vmem>>)
    %dma_wait3A_61 = arith.constant 1 : i32
    %dma_wait3A_62 = arith.constant 0 : i32
    %dma_wait3A_63 = arith.constant 64 : i32
    %dma_wait3A_64 = tpu.memref_slice %arg6[%dma_wait3A_62, %dma_wait3A_63] : memref<2x128xi32, #tpu.memory_space<vmem>> -> memref<1x64xi32, #tpu.memory_space<vmem>>
    %dma_wait3A_65 = tpu.memref_squeeze %dma_wait3A_64 : memref<1x64xi32, #tpu.memory_space<vmem>> -> memref<64xi32, #tpu.memory_space<vmem>>
    %dma_wait3A_66 = tpu.memref_slice %arg2[%dma_wait3A_61, %mul3A_2] : memref<4x2048xi32, #tpu.memory_space<hbm>> -> memref<1x64xi32, #tpu.memory_space<hbm>>
    %dma_wait3A_67 = tpu.memref_squeeze %dma_wait3A_66 : memref<1x64xi32, #tpu.memory_space<hbm>> -> memref<64xi32, #tpu.memory_space<hbm>>
    %dma_wait3A_68 = arith.constant 64 : i32
    %dma_wait3A_69 = tpu.memref_slice %arg6[%dma_wait3A_62, %dma_wait3A_68] : memref<2x128xi32, #tpu.memory_space<vmem>> -> memref<1x64xi32, #tpu.memory_space<vmem>>
    %dma_wait3A_70 = tpu.memref_squeeze %dma_wait3A_69 : memref<1x64xi32, #tpu.memory_space<vmem>> -> memref<64xi32, #tpu.memory_space<vmem>>
    %dma_wait3A_71 = tpu.memref_slice %arg2[%dma_wait3A_61, %mul3A_2] : memref<4x2048xi32, #tpu.memory_space<hbm>> -> memref<1x64xi32, #tpu.memory_space<hbm>>
    %dma_wait3A_72 = tpu.memref_squeeze %dma_wait3A_71 : memref<1x64xi32, #tpu.memory_space<hbm>> -> memref<64xi32, #tpu.memory_space<hbm>>
    tpu.wait_dma2 semaphore(%arg12 : memref<!tpu.dma_semaphore, #tpu.memory_space<semaphore_mem>>) src(%dma_wait3A_72 : memref<64xi32, #tpu.memory_space<hbm>>) dst(%dma_wait3A_70 : memref<64xi32, #tpu.memory_space<vmem>>)
    %dma_start3A_73 = arith.constant 0 : i32
    %dma_start3A_74 = arith.constant 0 : i32
    %dma_start3A_75 = arith.constant 0 : i32
    %dma_start3A_76 = arith.constant 0 : i32
    %dma_start3A_77 = tpu.memref_slice %arg7[%dma_start3A_75, %dma_start3A_76] : memref<256x128xf32, #tpu.memory_space<vmem>> -> memref<128x128xf32, #tpu.memory_space<vmem>>
    %dma_start3A_78 = arith.constant 0 : i32
    %dma_start3A_79 = tpu.memref_slice %arg6[%dma_start3A_73, %dma_start3A_78] : memref<2x128xi32, #tpu.memory_space<vmem>> -> memref<1x128xi32, #tpu.memory_space<vmem>>
    %dma_start3A_80 = tpu.memref_squeeze %dma_start3A_79 : memref<1x128xi32, #tpu.memory_space<vmem>> -> memref<128xi32, #tpu.memory_space<vmem>>
    %dma_start3A_81 = arith.constant 0 : i32
    %dma_start3A_82 = arith.constant 0 : i32
    %dma_start3A_83 = tpu.memref_slice %arg3[%dma_start3A_81, %dma_start3A_82] : memref<100000x128xf32, #tpu.memory_space<hbm>> -> memref<100000x128xf32, #tpu.memory_space<hbm>>
    %dma_start3A_84 = tpu.memref_slice %arg9[%dma_start3A_74] : memref<2x!tpu.dma_semaphore, #tpu.memory_space<semaphore_mem>> -> memref<1x!tpu.dma_semaphore, #tpu.memory_space<semaphore_mem>>
    %dma_start3A_85 = tpu.memref_squeeze %dma_start3A_84 : memref<1x!tpu.dma_semaphore, #tpu.memory_space<semaphore_mem>> -> memref<!tpu.dma_semaphore, #tpu.memory_space<semaphore_mem>>
    tpu.enqueue_indirect_dma source(%dma_start3A_83 : memref<100000x128xf32, #tpu.memory_space<hbm>>) target(%dma_start3A_77 : memref<128x128xf32, #tpu.memory_space<vmem>>) offsets(%dma_start3A_80 : memref<128xi32, #tpu.memory_space<vmem>>) semaphore(%dma_start3A_85 : memref<!tpu.dma_semaphore, #tpu.memory_space<semaphore_mem>>)
    %dma_wait3A_86 = arith.constant 2 : i32
    %dma_wait3A_87 = arith.constant 1 : i32
    %dma_wait3A_88 = arith.constant 0 : i32
    %dma_wait3A_89 = tpu.memref_slice %arg6[%dma_wait3A_87, %dma_wait3A_88] : memref<2x128xi32, #tpu.memory_space<vmem>> -> memref<1x64xi32, #tpu.memory_space<vmem>>
    %dma_wait3A_90 = tpu.memref_squeeze %dma_wait3A_89 : memref<1x64xi32, #tpu.memory_space<vmem>> -> memref<64xi32, #tpu.memory_space<vmem>>
    %dma_wait3A_91 = tpu.memref_slice %arg2[%dma_wait3A_86, %mul3A_2] : memref<4x2048xi32, #tpu.memory_space<hbm>> -> memref<1x64xi32, #tpu.memory_space<hbm>>
    %dma_wait3A_92 = tpu.memref_squeeze %dma_wait3A_91 : memref<1x64xi32, #tpu.memory_space<hbm>> -> memref<64xi32, #tpu.memory_space<hbm>>
    %dma_wait3A_93 = arith.constant 0 : i32
    %dma_wait3A_94 = tpu.memref_slice %arg6[%dma_wait3A_87, %dma_wait3A_93] : memref<2x128xi32, #tpu.memory_space<vmem>> -> memref<1x64xi32, #tpu.memory_space<vmem>>
    %dma_wait3A_95 = tpu.memref_squeeze %dma_wait3A_94 : memref<1x64xi32, #tpu.memory_space<vmem>> -> memref<64xi32, #tpu.memory_space<vmem>>
    %dma_wait3A_96 = tpu.memref_slice %arg2[%dma_wait3A_86, %mul3A_2] : memref<4x2048xi32, #tpu.memory_space<hbm>> -> memref<1x64xi32, #tpu.memory_space<hbm>>
    %dma_wait3A_97 = tpu.memref_squeeze %dma_wait3A_96 : memref<1x64xi32, #tpu.memory_space<hbm>> -> memref<64xi32, #tpu.memory_space<hbm>>
    tpu.wait_dma2 semaphore(%arg12 : memref<!tpu.dma_semaphore, #tpu.memory_space<semaphore_mem>>) src(%dma_wait3A_97 : memref<64xi32, #tpu.memory_space<hbm>>) dst(%dma_wait3A_95 : memref<64xi32, #tpu.memory_space<vmem>>)
    %dma_wait3A_98 = arith.constant 3 : i32
    %dma_wait3A_99 = arith.constant 1 : i32
    %dma_wait3A_100 = arith.constant 64 : i32
    %dma_wait3A_101 = tpu.memref_slice %arg6[%dma_wait3A_99, %dma_wait3A_100] : memref<2x128xi32, #tpu.memory_space<vmem>> -> memref<1x64xi32, #tpu.memory_space<vmem>>
    %dma_wait3A_102 = tpu.memref_squeeze %dma_wait3A_101 : memref<1x64xi32, #tpu.memory_space<vmem>> -> memref<64xi32, #tpu.memory_space<vmem>>
    %dma_wait3A_103 = tpu.memref_slice %arg2[%dma_wait3A_98, %mul3A_2] : memref<4x2048xi32, #tpu.memory_space<hbm>> -> memref<1x64xi32, #tpu.memory_space<hbm>>
    %dma_wait3A_104 = tpu.memref_squeeze %dma_wait3A_103 : memref<1x64xi32, #tpu.memory_space<hbm>> -> memref<64xi32, #tpu.memory_space<hbm>>
    %dma_wait3A_105 = arith.constant 64 : i32
    %dma_wait3A_106 = tpu.memref_slice %arg6[%dma_wait3A_99, %dma_wait3A_105] : memref<2x128xi32, #tpu.memory_space<vmem>> -> memref<1x64xi32, #tpu.memory_space<vmem>>
    %dma_wait3A_107 = tpu.memref_squeeze %dma_wait3A_106 : memref<1x64xi32, #tpu.memory_space<vmem>> -> memref<64xi32, #tpu.memory_space<vmem>>
    %dma_wait3A_108 = tpu.memref_slice %arg2[%dma_wait3A_98, %mul3A_2] : memref<4x2048xi32, #tpu.memory_space<hbm>> -> memref<1x64xi32, #tpu.memory_space<hbm>>
    %dma_wait3A_109 = tpu.memref_squeeze %dma_wait3A_108 : memref<1x64xi32, #tpu.memory_space<hbm>> -> memref<64xi32, #tpu.memory_space<hbm>>
    tpu.wait_dma2 semaphore(%arg12 : memref<!tpu.dma_semaphore, #tpu.memory_space<semaphore_mem>>) src(%dma_wait3A_109 : memref<64xi32, #tpu.memory_space<hbm>>) dst(%dma_wait3A_107 : memref<64xi32, #tpu.memory_space<vmem>>)
    %dma_start3A_110 = arith.constant 1 : i32
    %dma_start3A_111 = arith.constant 1 : i32
    %dma_start3A_112 = arith.constant 128 : i32
    %dma_start3A_113 = arith.constant 0 : i32
    %dma_start3A_114 = tpu.memref_slice %arg7[%dma_start3A_112, %dma_start3A_113] : memref<256x128xf32, #tpu.memory_space<vmem>> -> memref<128x128xf32, #tpu.memory_space<vmem>>
    %dma_start3A_115 = arith.constant 0 : i32
    %dma_start3A_116 = tpu.memref_slice %arg6[%dma_start3A_110, %dma_start3A_115] : memref<2x128xi32, #tpu.memory_space<vmem>> -> memref<1x128xi32, #tpu.memory_space<vmem>>
    %dma_start3A_117 = tpu.memref_squeeze %dma_start3A_116 : memref<1x128xi32, #tpu.memory_space<vmem>> -> memref<128xi32, #tpu.memory_space<vmem>>
    %dma_start3A_118 = arith.constant 0 : i32
    %dma_start3A_119 = arith.constant 0 : i32
    %dma_start3A_120 = tpu.memref_slice %arg3[%dma_start3A_118, %dma_start3A_119] : memref<100000x128xf32, #tpu.memory_space<hbm>> -> memref<100000x128xf32, #tpu.memory_space<hbm>>
    %dma_start3A_121 = tpu.memref_slice %arg9[%dma_start3A_111] : memref<2x!tpu.dma_semaphore, #tpu.memory_space<semaphore_mem>> -> memref<1x!tpu.dma_semaphore, #tpu.memory_space<semaphore_mem>>
    %dma_start3A_122 = tpu.memref_squeeze %dma_start3A_121 : memref<1x!tpu.dma_semaphore, #tpu.memory_space<semaphore_mem>> -> memref<!tpu.dma_semaphore, #tpu.memory_space<semaphore_mem>>
    tpu.enqueue_indirect_dma source(%dma_start3A_120 : memref<100000x128xf32, #tpu.memory_space<hbm>>) target(%dma_start3A_114 : memref<128x128xf32, #tpu.memory_space<vmem>>) offsets(%dma_start3A_117 : memref<128xi32, #tpu.memory_space<vmem>>) semaphore(%dma_start3A_122 : memref<!tpu.dma_semaphore, #tpu.memory_space<semaphore_mem>>)
    %dma_start3A_123 = arith.constant 0 : i32
    %dma_start3A_124 = tpu.memref_slice %arg4[%mul3A_2, %dma_start3A_123] : memref<2048x128xf32, #tpu.memory_space<hbm>> -> memref<64x128xf32, #tpu.memory_space<hbm>>
    %dma_start3A_125 = arith.constant 0 : i32
    %dma_start3A_126 = tpu.memref_slice %arg4[%mul3A_2, %dma_start3A_125] : memref<2048x128xf32, #tpu.memory_space<hbm>> -> memref<64x128xf32, #tpu.memory_space<hbm>>
    tpu.enqueue_dma source(%dma_start3A_126 : memref<64x128xf32, #tpu.memory_space<hbm>>) target(%arg8 : memref<64x128xf32, #tpu.memory_space<vmem>>) target_semaphore(%arg11 : memref<!tpu.dma_semaphore, #tpu.memory_space<semaphore_mem>>)
    %dma_wait3A_127 = arith.constant 0 : i32
    %dma_wait3A_128 = tpu.memref_slice %arg4[%mul3A_2, %dma_wait3A_127] : memref<2048x128xf32, #tpu.memory_space<hbm>> -> memref<64x128xf32, #tpu.memory_space<hbm>>
    %dma_wait3A_129 = arith.constant 0 : i32
    %dma_wait3A_130 = tpu.memref_slice %arg4[%mul3A_2, %dma_wait3A_129] : memref<2048x128xf32, #tpu.memory_space<hbm>> -> memref<64x128xf32, #tpu.memory_space<hbm>>
    tpu.wait_dma2 semaphore(%arg11 : memref<!tpu.dma_semaphore, #tpu.memory_space<semaphore_mem>>) src(%dma_wait3A_130 : memref<64x128xf32, #tpu.memory_space<hbm>>) dst(%arg8 : memref<64x128xf32, #tpu.memory_space<vmem>>)
    %dma_wait3A_131 = arith.constant 0 : i32
    %dma_wait3A_132 = arith.constant 0 : i32
    %dma_wait3A_133 = arith.constant 0 : i32
    %dma_wait3A_134 = arith.constant 0 : i32
    %dma_wait3A_135 = tpu.memref_slice %arg7[%dma_wait3A_133, %dma_wait3A_134] : memref<256x128xf32, #tpu.memory_space<vmem>> -> memref<128x128xf32, #tpu.memory_space<vmem>>
    %dma_wait3A_136 = arith.constant 0 : i32
    %dma_wait3A_137 = tpu.memref_slice %arg6[%dma_wait3A_131, %dma_wait3A_136] : memref<2x128xi32, #tpu.memory_space<vmem>> -> memref<1x128xi32, #tpu.memory_space<vmem>>
    %dma_wait3A_138 = tpu.memref_squeeze %dma_wait3A_137 : memref<1x128xi32, #tpu.memory_space<vmem>> -> memref<128xi32, #tpu.memory_space<vmem>>
    %dma_wait3A_139 = arith.constant 0 : i32
    %dma_wait3A_140 = arith.constant 0 : i32
    %dma_wait3A_141 = tpu.memref_slice %arg3[%dma_wait3A_139, %dma_wait3A_140] : memref<100000x128xf32, #tpu.memory_space<hbm>> -> memref<100000x128xf32, #tpu.memory_space<hbm>>
    %dma_wait3A_142 = tpu.memref_slice %arg9[%dma_wait3A_132] : memref<2x!tpu.dma_semaphore, #tpu.memory_space<semaphore_mem>> -> memref<1x!tpu.dma_semaphore, #tpu.memory_space<semaphore_mem>>
    %dma_wait3A_143 = tpu.memref_squeeze %dma_wait3A_142 : memref<1x!tpu.dma_semaphore, #tpu.memory_space<semaphore_mem>> -> memref<!tpu.dma_semaphore, #tpu.memory_space<semaphore_mem>>
    tpu.wait_indirect_dma semaphore(%dma_wait3A_143 : memref<!tpu.dma_semaphore, #tpu.memory_space<semaphore_mem>>) src(%dma_wait3A_141 : memref<100000x128xf32, #tpu.memory_space<hbm>>) dst(%dma_wait3A_135 : memref<128x128xf32, #tpu.memory_space<vmem>>)
    %scan3A = arith.constant 0 : i32
    %scan3A_144 = arith.constant 64 : i32
    %scan3A_145 = arith.addi %scan3A, %scan3A_144 : i32
    %scan3A_146 = arith.constant 1 : i32
    scf.for %scan3A_278 = %scan3A to %scan3A_145 step %scan3A_146  : i32 {
      %mul3A_279 = arith.constant 1 : i32
      %mul3A_280 = arith.muli %scan3A_278, %mul3A_279 : i32
      %add3A_281 = arith.constant 0 : i32
      %add3A_282 = arith.addi %add3A_281, %mul3A_280 : i32
      %add3A_283 = arith.constant 0 : i32
      %add3A_284 = arith.addi %add3A_283, %add3A_282 : i32
      %get3A = arith.index_cast %add3A_282 : i32 to index
      %get3A_285 = arith.constant 0 : index
      %get3A_286 = tpu.vector_load %arg8[%get3A, %get3A_285] {strides = array<i32>} : memref<64x128xf32, #tpu.memory_space<vmem>>, vector<1x16xf32>,
      %get3A_287 = vector.shape_cast %get3A_286 : vector<1x16xf32> to vector<16xf32>
      %swap3A = arith.index_cast %add3A_284 : i32 to index
      %swap3A_288 = arith.constant 0 : index
      %swap3A_289 = tpu.vector_load %arg7[%swap3A, %swap3A_288] {strides = array<i32>} : memref<256x128xf32, #tpu.memory_space<vmem>>, vector<1x16xf32>,
      %swap3A_290 = vector.shape_cast %swap3A_289 : vector<1x16xf32> to vector<16xf32>
      %swap3A_291 = vector.shape_cast %get3A_287 : vector<16xf32> to vector<1x16xf32>
      tpu.vector_store %arg7[%swap3A, %swap3A_288], %swap3A_291 {add = true, strides = array<i32>} : memref<256x128xf32, #tpu.memory_space<vmem>>, vector<1x16xf32>,
      %add3A_292 = arith.constant 64 : i32
      %add3A_293 = arith.addi %add3A_284, %add3A_292 : i32
      %swap3A_294 = arith.index_cast %add3A_293 : i32 to index
      %swap3A_295 = arith.constant 0 : index
      %swap3A_296 = tpu.vector_load %arg7[%swap3A_294, %swap3A_295] {strides = array<i32>} : memref<256x128xf32, #tpu.memory_space<vmem>>, vector<1x16xf32>,
      %swap3A_297 = vector.shape_cast %swap3A_296 : vector<1x16xf32> to vector<16xf32>
      %swap3A_298 = vector.shape_cast %get3A_287 : vector<16xf32> to vector<1x16xf32>
      tpu.vector_store %arg7[%swap3A_294, %swap3A_295], %swap3A_298 {add = true, strides = array<i32>} : memref<256x128xf32, #tpu.memory_space<vmem>>, vector<1x16xf32>,
      %get3A_299 = arith.index_cast %add3A_282 : i32 to index
      %get3A_300 = arith.constant 16 : index
      %get3A_301 = tpu.vector_load %arg8[%get3A_299, %get3A_300] {strides = array<i32>} : memref<64x128xf32, #tpu.memory_space<vmem>>, vector<1x16xf32>,
      %get3A_302 = vector.shape_cast %get3A_301 : vector<1x16xf32> to vector<16xf32>
      %swap3A_303 = arith.index_cast %add3A_284 : i32 to index
      %swap3A_304 = arith.constant 16 : index
      %swap3A_305 = tpu.vector_load %arg7[%swap3A_303, %swap3A_304] {strides = array<i32>} : memref<256x128xf32, #tpu.memory_space<vmem>>, vector<1x16xf32>,
      %swap3A_306 = vector.shape_cast %swap3A_305 : vector<1x16xf32> to vector<16xf32>
      %swap3A_307 = vector.shape_cast %get3A_302 : vector<16xf32> to vector<1x16xf32>
      tpu.vector_store %arg7[%swap3A_303, %swap3A_304], %swap3A_307 {add = true, strides = array<i32>} : memref<256x128xf32, #tpu.memory_space<vmem>>, vector<1x16xf32>,
      %add3A_308 = arith.constant 64 : i32
      %add3A_309 = arith.addi %add3A_284, %add3A_308 : i32
      %swap3A_310 = arith.index_cast %add3A_309 : i32 to index
      %swap3A_311 = arith.constant 16 : index
      %swap3A_312 = tpu.vector_load %arg7[%swap3A_310, %swap3A_311] {strides = array<i32>} : memref<256x128xf32, #tpu.memory_space<vmem>>, vector<1x16xf32>,
      %swap3A_313 = vector.shape_cast %swap3A_312 : vector<1x16xf32> to vector<16xf32>
      %swap3A_314 = vector.shape_cast %get3A_302 : vector<16xf32> to vector<1x16xf32>
      tpu.vector_store %arg7[%swap3A_310, %swap3A_311], %swap3A_314 {add = true, strides = array<i32>} : memref<256x128xf32, #tpu.memory_space<vmem>>, vector<1x16xf32>,
      %get3A_315 = arith.index_cast %add3A_282 : i32 to index
      %get3A_316 = arith.constant 32 : index
      %get3A_317 = tpu.vector_load %arg8[%get3A_315, %get3A_316] {strides = array<i32>} : memref<64x128xf32, #tpu.memory_space<vmem>>, vector<1x16xf32>,
      %get3A_318 = vector.shape_cast %get3A_317 : vector<1x16xf32> to vector<16xf32>
      %swap3A_319 = arith.index_cast %add3A_284 : i32 to index
      %swap3A_320 = arith.constant 32 : index
      %swap3A_321 = tpu.vector_load %arg7[%swap3A_319, %swap3A_320] {strides = array<i32>} : memref<256x128xf32, #tpu.memory_space<vmem>>, vector<1x16xf32>,
      %swap3A_322 = vector.shape_cast %swap3A_321 : vector<1x16xf32> to vector<16xf32>
      %swap3A_323 = vector.shape_cast %get3A_318 : vector<16xf32> to vector<1x16xf32>
      tpu.vector_store %arg7[%swap3A_319, %swap3A_320], %swap3A_323 {add = true, strides = array<i32>} : memref<256x128xf32, #tpu.memory_space<vmem>>, vector<1x16xf32>,
      %add3A_324 = arith.constant 64 : i32
      %add3A_325 = arith.addi %add3A_284, %add3A_324 : i32
      %swap3A_326 = arith.index_cast %add3A_325 : i32 to index
      %swap3A_327 = arith.constant 32 : index
      %swap3A_328 = tpu.vector_load %arg7[%swap3A_326, %swap3A_327] {strides = array<i32>} : memref<256x128xf32, #tpu.memory_space<vmem>>, vector<1x16xf32>,
      %swap3A_329 = vector.shape_cast %swap3A_328 : vector<1x16xf32> to vector<16xf32>
      %swap3A_330 = vector.shape_cast %get3A_318 : vector<16xf32> to vector<1x16xf32>
      tpu.vector_store %arg7[%swap3A_326, %swap3A_327], %swap3A_330 {add = true, strides = array<i32>} : memref<256x128xf32, #tpu.memory_space<vmem>>, vector<1x16xf32>,
      %get3A_331 = arith.index_cast %add3A_282 : i32 to index
      %get3A_332 = arith.constant 48 : index
      %get3A_333 = tpu.vector_load %arg8[%get3A_331, %get3A_332] {strides = array<i32>} : memref<64x128xf32, #tpu.memory_space<vmem>>, vector<1x16xf32>,
      %get3A_334 = vector.shape_cast %get3A_333 : vector<1x16xf32> to vector<16xf32>
      %swap3A_335 = arith.index_cast %add3A_284 : i32 to index
      %swap3A_336 = arith.constant 48 : index
      %swap3A_337 = tpu.vector_load %arg7[%swap3A_335, %swap3A_336] {strides = array<i32>} : memref<256x128xf32, #tpu.memory_space<vmem>>, vector<1x16xf32>,
      %swap3A_338 = vector.shape_cast %swap3A_337 : vector<1x16xf32> to vector<16xf32>
      %swap3A_339 = vector.shape_cast %get3A_334 : vector<16xf32> to vector<1x16xf32>
      tpu.vector_store %arg7[%swap3A_335, %swap3A_336], %swap3A_339 {add = true, strides = array<i32>} : memref<256x128xf32, #tpu.memory_space<vmem>>, vector<1x16xf32>,
      %add3A_340 = arith.constant 64 : i32
      %add3A_341 = arith.addi %add3A_284, %add3A_340 : i32
      %swap3A_342 = arith.index_cast %add3A_341 : i32 to index
      %swap3A_343 = arith.constant 48 : index
      %swap3A_344 = tpu.vector_load %arg7[%swap3A_342, %swap3A_343] {strides = array<i32>} : memref<256x128xf32, #tpu.memory_space<vmem>>, vector<1x16xf32>,
      %swap3A_345 = vector.shape_cast %swap3A_344 : vector<1x16xf32> to vector<16xf32>
      %swap3A_346 = vector.shape_cast %get3A_334 : vector<16xf32> to vector<1x16xf32>
      tpu.vector_store %arg7[%swap3A_342, %swap3A_343], %swap3A_346 {add = true, strides = array<i32>} : memref<256x128xf32, #tpu.memory_space<vmem>>, vector<1x16xf32>,
      %get3A_347 = arith.index_cast %add3A_282 : i32 to index
      %get3A_348 = arith.constant 64 : index
      %get3A_349 = tpu.vector_load %arg8[%get3A_347, %get3A_348] {strides = array<i32>} : memref<64x128xf32, #tpu.memory_space<vmem>>, vector<1x16xf32>,
      %get3A_350 = vector.shape_cast %get3A_349 : vector<1x16xf32> to vector<16xf32>
      %swap3A_351 = arith.index_cast %add3A_284 : i32 to index
      %swap3A_352 = arith.constant 64 : index
      %swap3A_353 = tpu.vector_load %arg7[%swap3A_351, %swap3A_352] {strides = array<i32>} : memref<256x128xf32, #tpu.memory_space<vmem>>, vector<1x16xf32>,
      %swap3A_354 = vector.shape_cast %swap3A_353 : vector<1x16xf32> to vector<16xf32>
      %swap3A_355 = vector.shape_cast %get3A_350 : vector<16xf32> to vector<1x16xf32>
      tpu.vector_store %arg7[%swap3A_351, %swap3A_352], %swap3A_355 {add = true, strides = array<i32>} : memref<256x128xf32, #tpu.memory_space<vmem>>, vector<1x16xf32>,
      %add3A_356 = arith.constant 64 : i32
      %add3A_357 = arith.addi %add3A_284, %add3A_356 : i32
      %swap3A_358 = arith.index_cast %add3A_357 : i32 to index
      %swap3A_359 = arith.constant 64 : index
      %swap3A_360 = tpu.vector_load %arg7[%swap3A_358, %swap3A_359] {strides = array<i32>} : memref<256x128xf32, #tpu.memory_space<vmem>>, vector<1x16xf32>,
      %swap3A_361 = vector.shape_cast %swap3A_360 : vector<1x16xf32> to vector<16xf32>
      %swap3A_362 = vector.shape_cast %get3A_350 : vector<16xf32> to vector<1x16xf32>
      tpu.vector_store %arg7[%swap3A_358, %swap3A_359], %swap3A_362 {add = true, strides = array<i32>} : memref<256x128xf32, #tpu.memory_space<vmem>>, vector<1x16xf32>,
      %get3A_363 = arith.index_cast %add3A_282 : i32 to index
      %get3A_364 = arith.constant 80 : index
      %get3A_365 = tpu.vector_load %arg8[%get3A_363, %get3A_364] {strides = array<i32>} : memref<64x128xf32, #tpu.memory_space<vmem>>, vector<1x16xf32>,
      %get3A_366 = vector.shape_cast %get3A_365 : vector<1x16xf32> to vector<16xf32>
      %swap3A_367 = arith.index_cast %add3A_284 : i32 to index
      %swap3A_368 = arith.constant 80 : index
      %swap3A_369 = tpu.vector_load %arg7[%swap3A_367, %swap3A_368] {strides = array<i32>} : memref<256x128xf32, #tpu.memory_space<vmem>>, vector<1x16xf32>,
      %swap3A_370 = vector.shape_cast %swap3A_369 : vector<1x16xf32> to vector<16xf32>
      %swap3A_371 = vector.shape_cast %get3A_366 : vector<16xf32> to vector<1x16xf32>
      tpu.vector_store %arg7[%swap3A_367, %swap3A_368], %swap3A_371 {add = true, strides = array<i32>} : memref<256x128xf32, #tpu.memory_space<vmem>>, vector<1x16xf32>,
      %add3A_372 = arith.constant 64 : i32
      %add3A_373 = arith.addi %add3A_284, %add3A_372 : i32
      %swap3A_374 = arith.index_cast %add3A_373 : i32 to index
      %swap3A_375 = arith.constant 80 : index
      %swap3A_376 = tpu.vector_load %arg7[%swap3A_374, %swap3A_375] {strides = array<i32>} : memref<256x128xf32, #tpu.memory_space<vmem>>, vector<1x16xf32>,
      %swap3A_377 = vector.shape_cast %swap3A_376 : vector<1x16xf32> to vector<16xf32>
      %swap3A_378 = vector.shape_cast %get3A_366 : vector<16xf32> to vector<1x16xf32>
      tpu.vector_store %arg7[%swap3A_374, %swap3A_375], %swap3A_378 {add = true, strides = array<i32>} : memref<256x128xf32, #tpu.memory_space<vmem>>, vector<1x16xf32>,
      %get3A_379 = arith.index_cast %add3A_282 : i32 to index
      %get3A_380 = arith.constant 96 : index
      %get3A_381 = tpu.vector_load %arg8[%get3A_379, %get3A_380] {strides = array<i32>} : memref<64x128xf32, #tpu.memory_space<vmem>>, vector<1x16xf32>,
      %get3A_382 = vector.shape_cast %get3A_381 : vector<1x16xf32> to vector<16xf32>
      %swap3A_383 = arith.index_cast %add3A_284 : i32 to index
      %swap3A_384 = arith.constant 96 : index
      %swap3A_385 = tpu.vector_load %arg7[%swap3A_383, %swap3A_384] {strides = array<i32>} : memref<256x128xf32, #tpu.memory_space<vmem>>, vector<1x16xf32>,
      %swap3A_386 = vector.shape_cast %swap3A_385 : vector<1x16xf32> to vector<16xf32>
      %swap3A_387 = vector.shape_cast %get3A_382 : vector<16xf32> to vector<1x16xf32>
      tpu.vector_store %arg7[%swap3A_383, %swap3A_384], %swap3A_387 {add = true, strides = array<i32>} : memref<256x128xf32, #tpu.memory_space<vmem>>, vector<1x16xf32>,
      %add3A_388 = arith.constant 64 : i32
      %add3A_389 = arith.addi %add3A_284, %add3A_388 : i32
      %swap3A_390 = arith.index_cast %add3A_389 : i32 to index
      %swap3A_391 = arith.constant 96 : index
      %swap3A_392 = tpu.vector_load %arg7[%swap3A_390, %swap3A_391] {strides = array<i32>} : memref<256x128xf32, #tpu.memory_space<vmem>>, vector<1x16xf32>,
      %swap3A_393 = vector.shape_cast %swap3A_392 : vector<1x16xf32> to vector<16xf32>
      %swap3A_394 = vector.shape_cast %get3A_382 : vector<16xf32> to vector<1x16xf32>
      tpu.vector_store %arg7[%swap3A_390, %swap3A_391], %swap3A_394 {add = true, strides = array<i32>} : memref<256x128xf32, #tpu.memory_space<vmem>>, vector<1x16xf32>,
      %get3A_395 = arith.index_cast %add3A_282 : i32 to index
      %get3A_396 = arith.constant 112 : index
      %get3A_397 = tpu.vector_load %arg8[%get3A_395, %get3A_396] {strides = array<i32>} : memref<64x128xf32, #tpu.memory_space<vmem>>, vector<1x16xf32>,
      %get3A_398 = vector.shape_cast %get3A_397 : vector<1x16xf32> to vector<16xf32>
      %swap3A_399 = arith.index_cast %add3A_284 : i32 to index
      %swap3A_400 = arith.constant 112 : index
      %swap3A_401 = tpu.vector_load %arg7[%swap3A_399, %swap3A_400] {strides = array<i32>} : memref<256x128xf32, #tpu.memory_space<vmem>>, vector<1x16xf32>,
      %swap3A_402 = vector.shape_cast %swap3A_401 : vector<1x16xf32> to vector<16xf32>
      %swap3A_403 = vector.shape_cast %get3A_398 : vector<16xf32> to vector<1x16xf32>
      tpu.vector_store %arg7[%swap3A_399, %swap3A_400], %swap3A_403 {add = true, strides = array<i32>} : memref<256x128xf32, #tpu.memory_space<vmem>>, vector<1x16xf32>,
      %add3A_404 = arith.constant 64 : i32
      %add3A_405 = arith.addi %add3A_284, %add3A_404 : i32
      %swap3A_406 = arith.index_cast %add3A_405 : i32 to index
      %swap3A_407 = arith.constant 112 : index
      %swap3A_408 = tpu.vector_load %arg7[%swap3A_406, %swap3A_407] {strides = array<i32>} : memref<256x128xf32, #tpu.memory_space<vmem>>, vector<1x16xf32>,
      %swap3A_409 = vector.shape_cast %swap3A_408 : vector<1x16xf32> to vector<16xf32>
      %swap3A_410 = vector.shape_cast %get3A_398 : vector<16xf32> to vector<1x16xf32>
      tpu.vector_store %arg7[%swap3A_406, %swap3A_407], %swap3A_410 {add = true, strides = array<i32>} : memref<256x128xf32, #tpu.memory_space<vmem>>, vector<1x16xf32>,
    }
    %scan3A_147 = arith.constant 64 : i32
    %add3A_148 = arith.constant 0 : i32
    %add3A_149 = arith.addi %add3A_148, %mul3A_2 : i32
    %dma_start3A_150 = arith.constant 0 : i32
    %dma_start3A_151 = arith.constant 0 : i32
    %dma_start3A_152 = arith.constant 0 : i32
    %dma_start3A_153 = tpu.memref_slice %arg7[%dma_start3A_151, %dma_start3A_152] : memref<256x128xf32, #tpu.memory_space<vmem>> -> memref<64x128xf32, #tpu.memory_space<vmem>>
    %dma_start3A_154 = arith.constant 0 : i32
    %dma_start3A_155 = tpu.memref_slice %arg5[%add3A_149, %dma_start3A_154] : memref<8192x128xf32, #tpu.memory_space<hbm>> -> memref<64x128xf32, #tpu.memory_space<hbm>>
    %dma_start3A_156 = tpu.memref_slice %arg10[%dma_start3A_150] : memref<4x!tpu.dma_semaphore, #tpu.memory_space<semaphore_mem>> -> memref<1x!tpu.dma_semaphore, #tpu.memory_space<semaphore_mem>>
    %dma_start3A_157 = tpu.memref_squeeze %dma_start3A_156 : memref<1x!tpu.dma_semaphore, #tpu.memory_space<semaphore_mem>> -> memref<!tpu.dma_semaphore, #tpu.memory_space<semaphore_mem>>
    %dma_start3A_158 = arith.constant 0 : i32
    %dma_start3A_159 = tpu.memref_slice %arg5[%add3A_149, %dma_start3A_158] : memref<8192x128xf32, #tpu.memory_space<hbm>> -> memref<64x128xf32, #tpu.memory_space<hbm>>
    %dma_start3A_160 = arith.constant 0 : i32
    %dma_start3A_161 = arith.constant 0 : i32
    %dma_start3A_162 = tpu.memref_slice %arg7[%dma_start3A_160, %dma_start3A_161] : memref<256x128xf32, #tpu.memory_space<vmem>> -> memref<64x128xf32, #tpu.memory_space<vmem>>
    tpu.enqueue_dma source(%dma_start3A_162 : memref<64x128xf32, #tpu.memory_space<vmem>>) target(%dma_start3A_159 : memref<64x128xf32, #tpu.memory_space<hbm>>) target_semaphore(%dma_start3A_157 : memref<!tpu.dma_semaphore, #tpu.memory_space<semaphore_mem>>)
    %add3A_163 = arith.constant 2048 : i32
    %add3A_164 = arith.addi %add3A_163, %mul3A_2 : i32
    %dma_start3A_165 = arith.constant 1 : i32
    %dma_start3A_166 = arith.constant 64 : i32
    %dma_start3A_167 = arith.constant 0 : i32
    %dma_start3A_168 = tpu.memref_slice %arg7[%dma_start3A_166, %dma_start3A_167] : memref<256x128xf32, #tpu.memory_space<vmem>> -> memref<64x128xf32, #tpu.memory_space<vmem>>
    %dma_start3A_169 = arith.constant 0 : i32
    %dma_start3A_170 = tpu.memref_slice %arg5[%add3A_164, %dma_start3A_169] : memref<8192x128xf32, #tpu.memory_space<hbm>> -> memref<64x128xf32, #tpu.memory_space<hbm>>
    %dma_start3A_171 = tpu.memref_slice %arg10[%dma_start3A_165] : memref<4x!tpu.dma_semaphore, #tpu.memory_space<semaphore_mem>> -> memref<1x!tpu.dma_semaphore, #tpu.memory_space<semaphore_mem>>
    %dma_start3A_172 = tpu.memref_squeeze %dma_start3A_171 : memref<1x!tpu.dma_semaphore, #tpu.memory_space<semaphore_mem>> -> memref<!tpu.dma_semaphore, #tpu.memory_space<semaphore_mem>>
    %dma_start3A_173 = arith.constant 0 : i32
    %dma_start3A_174 = tpu.memref_slice %arg5[%add3A_164, %dma_start3A_173] : memref<8192x128xf32, #tpu.memory_space<hbm>> -> memref<64x128xf32, #tpu.memory_space<hbm>>
    %dma_start3A_175 = arith.constant 64 : i32
    %dma_start3A_176 = arith.constant 0 : i32
    %dma_start3A_177 = tpu.memref_slice %arg7[%dma_start3A_175, %dma_start3A_176] : memref<256x128xf32, #tpu.memory_space<vmem>> -> memref<64x128xf32, #tpu.memory_space<vmem>>
    tpu.enqueue_dma source(%dma_start3A_177 : memref<64x128xf32, #tpu.memory_space<vmem>>) target(%dma_start3A_174 : memref<64x128xf32, #tpu.memory_space<hbm>>) target_semaphore(%dma_start3A_172 : memref<!tpu.dma_semaphore, #tpu.memory_space<semaphore_mem>>)
    %dma_wait3A_178 = arith.constant 1 : i32
    %dma_wait3A_179 = arith.constant 1 : i32
    %dma_wait3A_180 = arith.constant 128 : i32
    %dma_wait3A_181 = arith.constant 0 : i32
    %dma_wait3A_182 = tpu.memref_slice %arg7[%dma_wait3A_180, %dma_wait3A_181] : memref<256x128xf32, #tpu.memory_space<vmem>> -> memref<128x128xf32, #tpu.memory_space<vmem>>
    %dma_wait3A_183 = arith.constant 0 : i32
    %dma_wait3A_184 = tpu.memref_slice %arg6[%dma_wait3A_178, %dma_wait3A_183] : memref<2x128xi32, #tpu.memory_space<vmem>> -> memref<1x128xi32, #tpu.memory_space<vmem>>
    %dma_wait3A_185 = tpu.memref_squeeze %dma_wait3A_184 : memref<1x128xi32, #tpu.memory_space<vmem>> -> memref<128xi32, #tpu.memory_space<vmem>>
    %dma_wait3A_186 = arith.constant 0 : i32
    %dma_wait3A_187 = arith.constant 0 : i32
    %dma_wait3A_188 = tpu.memref_slice %arg3[%dma_wait3A_186, %dma_wait3A_187] : memref<100000x128xf32, #tpu.memory_space<hbm>> -> memref<100000x128xf32, #tpu.memory_space<hbm>>
    %dma_wait3A_189 = tpu.memref_slice %arg9[%dma_wait3A_179] : memref<2x!tpu.dma_semaphore, #tpu.memory_space<semaphore_mem>> -> memref<1x!tpu.dma_semaphore, #tpu.memory_space<semaphore_mem>>
    %dma_wait3A_190 = tpu.memref_squeeze %dma_wait3A_189 : memref<1x!tpu.dma_semaphore, #tpu.memory_space<semaphore_mem>> -> memref<!tpu.dma_semaphore, #tpu.memory_space<semaphore_mem>>
    tpu.wait_indirect_dma semaphore(%dma_wait3A_190 : memref<!tpu.dma_semaphore, #tpu.memory_space<semaphore_mem>>) src(%dma_wait3A_188 : memref<100000x128xf32, #tpu.memory_space<hbm>>) dst(%dma_wait3A_182 : memref<128x128xf32, #tpu.memory_space<vmem>>)
    %scan3A_191 = arith.constant 0 : i32
    %scan3A_192 = arith.constant 64 : i32
    %scan3A_193 = arith.addi %scan3A_191, %scan3A_192 : i32
    %scan3A_194 = arith.constant 1 : i32
    scf.for %scan3A_278 = %scan3A_191 to %scan3A_193 step %scan3A_194  : i32 {
      %mul3A_279 = arith.constant 1 : i32
      %mul3A_280 = arith.muli %scan3A_278, %mul3A_279 : i32
      %add3A_281 = arith.constant 0 : i32
      %add3A_282 = arith.addi %add3A_281, %mul3A_280 : i32
      %add3A_283 = arith.constant 128 : i32
      %add3A_284 = arith.addi %add3A_283, %add3A_282 : i32
      %get3A = arith.index_cast %add3A_282 : i32 to index
      %get3A_285 = arith.constant 0 : index
      %get3A_286 = tpu.vector_load %arg8[%get3A, %get3A_285] {strides = array<i32>} : memref<64x128xf32, #tpu.memory_space<vmem>>, vector<1x16xf32>,
      %get3A_287 = vector.shape_cast %get3A_286 : vector<1x16xf32> to vector<16xf32>
      %swap3A = arith.index_cast %add3A_284 : i32 to index
      %swap3A_288 = arith.constant 0 : index
      %swap3A_289 = tpu.vector_load %arg7[%swap3A, %swap3A_288] {strides = array<i32>} : memref<256x128xf32, #tpu.memory_space<vmem>>, vector<1x16xf32>,
      %swap3A_290 = vector.shape_cast %swap3A_289 : vector<1x16xf32> to vector<16xf32>
      %swap3A_291 = vector.shape_cast %get3A_287 : vector<16xf32> to vector<1x16xf32>
      tpu.vector_store %arg7[%swap3A, %swap3A_288], %swap3A_291 {add = true, strides = array<i32>} : memref<256x128xf32, #tpu.memory_space<vmem>>, vector<1x16xf32>,
      %add3A_292 = arith.constant 64 : i32
      %add3A_293 = arith.addi %add3A_284, %add3A_292 : i32
      %swap3A_294 = arith.index_cast %add3A_293 : i32 to index
      %swap3A_295 = arith.constant 0 : index
      %swap3A_296 = tpu.vector_load %arg7[%swap3A_294, %swap3A_295] {strides = array<i32>} : memref<256x128xf32, #tpu.memory_space<vmem>>, vector<1x16xf32>,
      %swap3A_297 = vector.shape_cast %swap3A_296 : vector<1x16xf32> to vector<16xf32>
      %swap3A_298 = vector.shape_cast %get3A_287 : vector<16xf32> to vector<1x16xf32>
      tpu.vector_store %arg7[%swap3A_294, %swap3A_295], %swap3A_298 {add = true, strides = array<i32>} : memref<256x128xf32, #tpu.memory_space<vmem>>, vector<1x16xf32>,
      %get3A_299 = arith.index_cast %add3A_282 : i32 to index
      %get3A_300 = arith.constant 16 : index
      %get3A_301 = tpu.vector_load %arg8[%get3A_299, %get3A_300] {strides = array<i32>} : memref<64x128xf32, #tpu.memory_space<vmem>>, vector<1x16xf32>,
      %get3A_302 = vector.shape_cast %get3A_301 : vector<1x16xf32> to vector<16xf32>
      %swap3A_303 = arith.index_cast %add3A_284 : i32 to index
      %swap3A_304 = arith.constant 16 : index
      %swap3A_305 = tpu.vector_load %arg7[%swap3A_303, %swap3A_304] {strides = array<i32>} : memref<256x128xf32, #tpu.memory_space<vmem>>, vector<1x16xf32>,
      %swap3A_306 = vector.shape_cast %swap3A_305 : vector<1x16xf32> to vector<16xf32>
      %swap3A_307 = vector.shape_cast %get3A_302 : vector<16xf32> to vector<1x16xf32>
      tpu.vector_store %arg7[%swap3A_303, %swap3A_304], %swap3A_307 {add = true, strides = array<i32>} : memref<256x128xf32, #tpu.memory_space<vmem>>, vector<1x16xf32>,
      %add3A_308 = arith.constant 64 : i32
      %add3A_309 = arith.addi %add3A_284, %add3A_308 : i32
      %swap3A_310 = arith.index_cast %add3A_309 : i32 to index
      %swap3A_311 = arith.constant 16 : index
      %swap3A_312 = tpu.vector_load %arg7[%swap3A_310, %swap3A_311] {strides = array<i32>} : memref<256x128xf32, #tpu.memory_space<vmem>>, vector<1x16xf32>,
      %swap3A_313 = vector.shape_cast %swap3A_312 : vector<1x16xf32> to vector<16xf32>
      %swap3A_314 = vector.shape_cast %get3A_302 : vector<16xf32> to vector<1x16xf32>
      tpu.vector_store %arg7[%swap3A_310, %swap3A_311], %swap3A_314 {add = true, strides = array<i32>} : memref<256x128xf32, #tpu.memory_space<vmem>>, vector<1x16xf32>,
      %get3A_315 = arith.index_cast %add3A_282 : i32 to index
      %get3A_316 = arith.constant 32 : index
      %get3A_317 = tpu.vector_load %arg8[%get3A_315, %get3A_316] {strides = array<i32>} : memref<64x128xf32, #tpu.memory_space<vmem>>, vector<1x16xf32>,
      %get3A_318 = vector.shape_cast %get3A_317 : vector<1x16xf32> to vector<16xf32>
      %swap3A_319 = arith.index_cast %add3A_284 : i32 to index
      %swap3A_320 = arith.constant 32 : index
      %swap3A_321 = tpu.vector_load %arg7[%swap3A_319, %swap3A_320] {strides = array<i32>} : memref<256x128xf32, #tpu.memory_space<vmem>>, vector<1x16xf32>,
      %swap3A_322 = vector.shape_cast %swap3A_321 : vector<1x16xf32> to vector<16xf32>
      %swap3A_323 = vector.shape_cast %get3A_318 : vector<16xf32> to vector<1x16xf32>
      tpu.vector_store %arg7[%swap3A_319, %swap3A_320], %swap3A_323 {add = true, strides = array<i32>} : memref<256x128xf32, #tpu.memory_space<vmem>>, vector<1x16xf32>,
      %add3A_324 = arith.constant 64 : i32
      %add3A_325 = arith.addi %add3A_284, %add3A_324 : i32
      %swap3A_326 = arith.index_cast %add3A_325 : i32 to index
      %swap3A_327 = arith.constant 32 : index
      %swap3A_328 = tpu.vector_load %arg7[%swap3A_326, %swap3A_327] {strides = array<i32>} : memref<256x128xf32, #tpu.memory_space<vmem>>, vector<1x16xf32>,
      %swap3A_329 = vector.shape_cast %swap3A_328 : vector<1x16xf32> to vector<16xf32>
      %swap3A_330 = vector.shape_cast %get3A_318 : vector<16xf32> to vector<1x16xf32>
      tpu.vector_store %arg7[%swap3A_326, %swap3A_327], %swap3A_330 {add = true, strides = array<i32>} : memref<256x128xf32, #tpu.memory_space<vmem>>, vector<1x16xf32>,
      %get3A_331 = arith.index_cast %add3A_282 : i32 to index
      %get3A_332 = arith.constant 48 : index
      %get3A_333 = tpu.vector_load %arg8[%get3A_331, %get3A_332] {strides = array<i32>} : memref<64x128xf32, #tpu.memory_space<vmem>>, vector<1x16xf32>,
      %get3A_334 = vector.shape_cast %get3A_333 : vector<1x16xf32> to vector<16xf32>
      %swap3A_335 = arith.index_cast %add3A_284 : i32 to index
      %swap3A_336 = arith.constant 48 : index
      %swap3A_337 = tpu.vector_load %arg7[%swap3A_335, %swap3A_336] {strides = array<i32>} : memref<256x128xf32, #tpu.memory_space<vmem>>, vector<1x16xf32>,
      %swap3A_338 = vector.shape_cast %swap3A_337 : vector<1x16xf32> to vector<16xf32>
      %swap3A_339 = vector.shape_cast %get3A_334 : vector<16xf32> to vector<1x16xf32>
      tpu.vector_store %arg7[%swap3A_335, %swap3A_336], %swap3A_339 {add = true, strides = array<i32>} : memref<256x128xf32, #tpu.memory_space<vmem>>, vector<1x16xf32>,
      %add3A_340 = arith.constant 64 : i32
      %add3A_341 = arith.addi %add3A_284, %add3A_340 : i32
      %swap3A_342 = arith.index_cast %add3A_341 : i32 to index
      %swap3A_343 = arith.constant 48 : index
      %swap3A_344 = tpu.vector_load %arg7[%swap3A_342, %swap3A_343] {strides = array<i32>} : memref<256x128xf32, #tpu.memory_space<vmem>>, vector<1x16xf32>,
      %swap3A_345 = vector.shape_cast %swap3A_344 : vector<1x16xf32> to vector<16xf32>
      %swap3A_346 = vector.shape_cast %get3A_334 : vector<16xf32> to vector<1x16xf32>
      tpu.vector_store %arg7[%swap3A_342, %swap3A_343], %swap3A_346 {add = true, strides = array<i32>} : memref<256x128xf32, #tpu.memory_space<vmem>>, vector<1x16xf32>,
      %get3A_347 = arith.index_cast %add3A_282 : i32 to index
      %get3A_348 = arith.constant 64 : index
      %get3A_349 = tpu.vector_load %arg8[%get3A_347, %get3A_348] {strides = array<i32>} : memref<64x128xf32, #tpu.memory_space<vmem>>, vector<1x16xf32>,
      %get3A_350 = vector.shape_cast %get3A_349 : vector<1x16xf32> to vector<16xf32>
      %swap3A_351 = arith.index_cast %add3A_284 : i32 to index
      %swap3A_352 = arith.constant 64 : index
      %swap3A_353 = tpu.vector_load %arg7[%swap3A_351, %swap3A_352] {strides = array<i32>} : memref<256x128xf32, #tpu.memory_space<vmem>>, vector<1x16xf32>,
      %swap3A_354 = vector.shape_cast %swap3A_353 : vector<1x16xf32> to vector<16xf32>
      %swap3A_355 = vector.shape_cast %get3A_350 : vector<16xf32> to vector<1x16xf32>
      tpu.vector_store %arg7[%swap3A_351, %swap3A_352], %swap3A_355 {add = true, strides = array<i32>} : memref<256x128xf32, #tpu.memory_space<vmem>>, vector<1x16xf32>,
      %add3A_356 = arith.constant 64 : i32
      %add3A_357 = arith.addi %add3A_284, %add3A_356 : i32
      %swap3A_358 = arith.index_cast %add3A_357 : i32 to index
      %swap3A_359 = arith.constant 64 : index
      %swap3A_360 = tpu.vector_load %arg7[%swap3A_358, %swap3A_359] {strides = array<i32>} : memref<256x128xf32, #tpu.memory_space<vmem>>, vector<1x16xf32>,
      %swap3A_361 = vector.shape_cast %swap3A_360 : vector<1x16xf32> to vector<16xf32>
      %swap3A_362 = vector.shape_cast %get3A_350 : vector<16xf32> to vector<1x16xf32>
      tpu.vector_store %arg7[%swap3A_358, %swap3A_359], %swap3A_362 {add = true, strides = array<i32>} : memref<256x128xf32, #tpu.memory_space<vmem>>, vector<1x16xf32>,
      %get3A_363 = arith.index_cast %add3A_282 : i32 to index
      %get3A_364 = arith.constant 80 : index
      %get3A_365 = tpu.vector_load %arg8[%get3A_363, %get3A_364] {strides = array<i32>} : memref<64x128xf32, #tpu.memory_space<vmem>>, vector<1x16xf32>,
      %get3A_366 = vector.shape_cast %get3A_365 : vector<1x16xf32> to vector<16xf32>
      %swap3A_367 = arith.index_cast %add3A_284 : i32 to index
      %swap3A_368 = arith.constant 80 : index
      %swap3A_369 = tpu.vector_load %arg7[%swap3A_367, %swap3A_368] {strides = array<i32>} : memref<256x128xf32, #tpu.memory_space<vmem>>, vector<1x16xf32>,
      %swap3A_370 = vector.shape_cast %swap3A_369 : vector<1x16xf32> to vector<16xf32>
      %swap3A_371 = vector.shape_cast %get3A_366 : vector<16xf32> to vector<1x16xf32>
      tpu.vector_store %arg7[%swap3A_367, %swap3A_368], %swap3A_371 {add = true, strides = array<i32>} : memref<256x128xf32, #tpu.memory_space<vmem>>, vector<1x16xf32>,
      %add3A_372 = arith.constant 64 : i32
      %add3A_373 = arith.addi %add3A_284, %add3A_372 : i32
      %swap3A_374 = arith.index_cast %add3A_373 : i32 to index
      %swap3A_375 = arith.constant 80 : index
      %swap3A_376 = tpu.vector_load %arg7[%swap3A_374, %swap3A_375] {strides = array<i32>} : memref<256x128xf32, #tpu.memory_space<vmem>>, vector<1x16xf32>,
      %swap3A_377 = vector.shape_cast %swap3A_376 : vector<1x16xf32> to vector<16xf32>
      %swap3A_378 = vector.shape_cast %get3A_366 : vector<16xf32> to vector<1x16xf32>
      tpu.vector_store %arg7[%swap3A_374, %swap3A_375], %swap3A_378 {add = true, strides = array<i32>} : memref<256x128xf32, #tpu.memory_space<vmem>>, vector<1x16xf32>,
      %get3A_379 = arith.index_cast %add3A_282 : i32 to index
      %get3A_380 = arith.constant 96 : index
      %get3A_381 = tpu.vector_load %arg8[%get3A_379, %get3A_380] {strides = array<i32>} : memref<64x128xf32, #tpu.memory_space<vmem>>, vector<1x16xf32>,
      %get3A_382 = vector.shape_cast %get3A_381 : vector<1x16xf32> to vector<16xf32>
      %swap3A_383 = arith.index_cast %add3A_284 : i32 to index
      %swap3A_384 = arith.constant 96 : index
      %swap3A_385 = tpu.vector_load %arg7[%swap3A_383, %swap3A_384] {strides = array<i32>} : memref<256x128xf32, #tpu.memory_space<vmem>>, vector<1x16xf32>,
      %swap3A_386 = vector.shape_cast %swap3A_385 : vector<1x16xf32> to vector<16xf32>
      %swap3A_387 = vector.shape_cast %get3A_382 : vector<16xf32> to vector<1x16xf32>
      tpu.vector_store %arg7[%swap3A_383, %swap3A_384], %swap3A_387 {add = true, strides = array<i32>} : memref<256x128xf32, #tpu.memory_space<vmem>>, vector<1x16xf32>,
      %add3A_388 = arith.constant 64 : i32
      %add3A_389 = arith.addi %add3A_284, %add3A_388 : i32
      %swap3A_390 = arith.index_cast %add3A_389 : i32 to index
      %swap3A_391 = arith.constant 96 : index
      %swap3A_392 = tpu.vector_load %arg7[%swap3A_390, %swap3A_391] {strides = array<i32>} : memref<256x128xf32, #tpu.memory_space<vmem>>, vector<1x16xf32>,
      %swap3A_393 = vector.shape_cast %swap3A_392 : vector<1x16xf32> to vector<16xf32>
      %swap3A_394 = vector.shape_cast %get3A_382 : vector<16xf32> to vector<1x16xf32>
      tpu.vector_store %arg7[%swap3A_390, %swap3A_391], %swap3A_394 {add = true, strides = array<i32>} : memref<256x128xf32, #tpu.memory_space<vmem>>, vector<1x16xf32>,
      %get3A_395 = arith.index_cast %add3A_282 : i32 to index
      %get3A_396 = arith.constant 112 : index
      %get3A_397 = tpu.vector_load %arg8[%get3A_395, %get3A_396] {strides = array<i32>} : memref<64x128xf32, #tpu.memory_space<vmem>>, vector<1x16xf32>,
      %get3A_398 = vector.shape_cast %get3A_397 : vector<1x16xf32> to vector<16xf32>
      %swap3A_399 = arith.index_cast %add3A_284 : i32 to index
      %swap3A_400 = arith.constant 112 : index
      %swap3A_401 = tpu.vector_load %arg7[%swap3A_399, %swap3A_400] {strides = array<i32>} : memref<256x128xf32, #tpu.memory_space<vmem>>, vector<1x16xf32>,
      %swap3A_402 = vector.shape_cast %swap3A_401 : vector<1x16xf32> to vector<16xf32>
      %swap3A_403 = vector.shape_cast %get3A_398 : vector<16xf32> to vector<1x16xf32>
      tpu.vector_store %arg7[%swap3A_399, %swap3A_400], %swap3A_403 {add = true, strides = array<i32>} : memref<256x128xf32, #tpu.memory_space<vmem>>, vector<1x16xf32>,
      %add3A_404 = arith.constant 64 : i32
      %add3A_405 = arith.addi %add3A_284, %add3A_404 : i32
      %swap3A_406 = arith.index_cast %add3A_405 : i32 to index
      %swap3A_407 = arith.constant 112 : index
      %swap3A_408 = tpu.vector_load %arg7[%swap3A_406, %swap3A_407] {strides = array<i32>} : memref<256x128xf32, #tpu.memory_space<vmem>>, vector<1x16xf32>,
      %swap3A_409 = vector.shape_cast %swap3A_408 : vector<1x16xf32> to vector<16xf32>
      %swap3A_410 = vector.shape_cast %get3A_398 : vector<16xf32> to vector<1x16xf32>
      tpu.vector_store %arg7[%swap3A_406, %swap3A_407], %swap3A_410 {add = true, strides = array<i32>} : memref<256x128xf32, #tpu.memory_space<vmem>>, vector<1x16xf32>,
    }
    %scan3A_195 = arith.constant 64 : i32
    %add3A_196 = arith.constant 4096 : i32
    %add3A_197 = arith.addi %add3A_196, %mul3A_2 : i32
    %dma_start3A_198 = arith.constant 2 : i32
    %dma_start3A_199 = arith.constant 128 : i32
    %dma_start3A_200 = arith.constant 0 : i32
    %dma_start3A_201 = tpu.memref_slice %arg7[%dma_start3A_199, %dma_start3A_200] : memref<256x128xf32, #tpu.memory_space<vmem>> -> memref<64x128xf32, #tpu.memory_space<vmem>>
    %dma_start3A_202 = arith.constant 0 : i32
    %dma_start3A_203 = tpu.memref_slice %arg5[%add3A_197, %dma_start3A_202] : memref<8192x128xf32, #tpu.memory_space<hbm>> -> memref<64x128xf32, #tpu.memory_space<hbm>>
    %dma_start3A_204 = tpu.memref_slice %arg10[%dma_start3A_198] : memref<4x!tpu.dma_semaphore, #tpu.memory_space<semaphore_mem>> -> memref<1x!tpu.dma_semaphore, #tpu.memory_space<semaphore_mem>>
    %dma_start3A_205 = tpu.memref_squeeze %dma_start3A_204 : memref<1x!tpu.dma_semaphore, #tpu.memory_space<semaphore_mem>> -> memref<!tpu.dma_semaphore, #tpu.memory_space<semaphore_mem>>
    %dma_start3A_206 = arith.constant 0 : i32
    %dma_start3A_207 = tpu.memref_slice %arg5[%add3A_197, %dma_start3A_206] : memref<8192x128xf32, #tpu.memory_space<hbm>> -> memref<64x128xf32, #tpu.memory_space<hbm>>
    %dma_start3A_208 = arith.constant 128 : i32
    %dma_start3A_209 = arith.constant 0 : i32
    %dma_start3A_210 = tpu.memref_slice %arg7[%dma_start3A_208, %dma_start3A_209] : memref<256x128xf32, #tpu.memory_space<vmem>> -> memref<64x128xf32, #tpu.memory_space<vmem>>
    tpu.enqueue_dma source(%dma_start3A_210 : memref<64x128xf32, #tpu.memory_space<vmem>>) target(%dma_start3A_207 : memref<64x128xf32, #tpu.memory_space<hbm>>) target_semaphore(%dma_start3A_205 : memref<!tpu.dma_semaphore, #tpu.memory_space<semaphore_mem>>)
    %add3A_211 = arith.constant 6144 : i32
    %add3A_212 = arith.addi %add3A_211, %mul3A_2 : i32
    %dma_start3A_213 = arith.constant 3 : i32
    %dma_start3A_214 = arith.constant 192 : i32
    %dma_start3A_215 = arith.constant 0 : i32
    %dma_start3A_216 = tpu.memref_slice %arg7[%dma_start3A_214, %dma_start3A_215] : memref<256x128xf32, #tpu.memory_space<vmem>> -> memref<64x128xf32, #tpu.memory_space<vmem>>
    %dma_start3A_217 = arith.constant 0 : i32
    %dma_start3A_218 = tpu.memref_slice %arg5[%add3A_212, %dma_start3A_217] : memref<8192x128xf32, #tpu.memory_space<hbm>> -> memref<64x128xf32, #tpu.memory_space<hbm>>
    %dma_start3A_219 = tpu.memref_slice %arg10[%dma_start3A_213] : memref<4x!tpu.dma_semaphore, #tpu.memory_space<semaphore_mem>> -> memref<1x!tpu.dma_semaphore, #tpu.memory_space<semaphore_mem>>
    %dma_start3A_220 = tpu.memref_squeeze %dma_start3A_219 : memref<1x!tpu.dma_semaphore, #tpu.memory_space<semaphore_mem>> -> memref<!tpu.dma_semaphore, #tpu.memory_space<semaphore_mem>>
    %dma_start3A_221 = arith.constant 0 : i32
    %dma_start3A_222 = tpu.memref_slice %arg5[%add3A_212, %dma_start3A_221] : memref<8192x128xf32, #tpu.memory_space<hbm>> -> memref<64x128xf32, #tpu.memory_space<hbm>>
    %dma_start3A_223 = arith.constant 192 : i32
    %dma_start3A_224 = arith.constant 0 : i32
    %dma_start3A_225 = tpu.memref_slice %arg7[%dma_start3A_223, %dma_start3A_224] : memref<256x128xf32, #tpu.memory_space<vmem>> -> memref<64x128xf32, #tpu.memory_space<vmem>>
    tpu.enqueue_dma source(%dma_start3A_225 : memref<64x128xf32, #tpu.memory_space<vmem>>) target(%dma_start3A_222 : memref<64x128xf32, #tpu.memory_space<hbm>>) target_semaphore(%dma_start3A_220 : memref<!tpu.dma_semaphore, #tpu.memory_space<semaphore_mem>>)
    %dma_wait3A_226 = arith.constant 0 : i32
    %dma_wait3A_227 = arith.constant 0 : i32
    %dma_wait3A_228 = arith.constant 0 : i32
    %dma_wait3A_229 = tpu.memref_slice %arg7[%dma_wait3A_227, %dma_wait3A_228] : memref<256x128xf32, #tpu.memory_space<vmem>> -> memref<64x128xf32, #tpu.memory_space<vmem>>
    %dma_wait3A_230 = arith.constant 0 : i32
    %dma_wait3A_231 = tpu.memref_slice %arg5[%add3A_149, %dma_wait3A_230] : memref<8192x128xf32, #tpu.memory_space<hbm>> -> memref<64x128xf32, #tpu.memory_space<hbm>>
    %dma_wait3A_232 = tpu.memref_slice %arg10[%dma_wait3A_226] : memref<4x!tpu.dma_semaphore, #tpu.memory_space<semaphore_mem>> -> memref<1x!tpu.dma_semaphore, #tpu.memory_space<semaphore_mem>>
    %dma_wait3A_233 = tpu.memref_squeeze %dma_wait3A_232 : memref<1x!tpu.dma_semaphore, #tpu.memory_space<semaphore_mem>> -> memref<!tpu.dma_semaphore, #tpu.memory_space<semaphore_mem>>
    %dma_wait3A_234 = arith.constant 0 : i32
    %dma_wait3A_235 = tpu.memref_slice %arg5[%add3A_149, %dma_wait3A_234] : memref<8192x128xf32, #tpu.memory_space<hbm>> -> memref<64x128xf32, #tpu.memory_space<hbm>>
    %dma_wait3A_236 = arith.constant 0 : i32
    %dma_wait3A_237 = arith.constant 0 : i32
    %dma_wait3A_238 = tpu.memref_slice %arg7[%dma_wait3A_236, %dma_wait3A_237] : memref<256x128xf32, #tpu.memory_space<vmem>> -> memref<64x128xf32, #tpu.memory_space<vmem>>
    tpu.wait_dma2 semaphore(%dma_wait3A_233 : memref<!tpu.dma_semaphore, #tpu.memory_space<semaphore_mem>>) src(%dma_wait3A_238 : memref<64x128xf32, #tpu.memory_space<vmem>>) dst(%dma_wait3A_235 : memref<64x128xf32, #tpu.memory_space<hbm>>)
    %dma_wait3A_239 = arith.constant 1 : i32
    %dma_wait3A_240 = arith.constant 64 : i32
    %dma_wait3A_241 = arith.constant 0 : i32
    %dma_wait3A_242 = tpu.memref_slice %arg7[%dma_wait3A_240, %dma_wait3A_241] : memref<256x128xf32, #tpu.memory_space<vmem>> -> memref<64x128xf32, #tpu.memory_space<vmem>>
    %dma_wait3A_243 = arith.constant 0 : i32
    %dma_wait3A_244 = tpu.memref_slice %arg5[%add3A_164, %dma_wait3A_243] : memref<8192x128xf32, #tpu.memory_space<hbm>> -> memref<64x128xf32, #tpu.memory_space<hbm>>
    %dma_wait3A_245 = tpu.memref_slice %arg10[%dma_wait3A_239] : memref<4x!tpu.dma_semaphore, #tpu.memory_space<semaphore_mem>> -> memref<1x!tpu.dma_semaphore, #tpu.memory_space<semaphore_mem>>
    %dma_wait3A_246 = tpu.memref_squeeze %dma_wait3A_245 : memref<1x!tpu.dma_semaphore, #tpu.memory_space<semaphore_mem>> -> memref<!tpu.dma_semaphore, #tpu.memory_space<semaphore_mem>>
    %dma_wait3A_247 = arith.constant 0 : i32
    %dma_wait3A_248 = tpu.memref_slice %arg5[%add3A_164, %dma_wait3A_247] : memref<8192x128xf32, #tpu.memory_space<hbm>> -> memref<64x128xf32, #tpu.memory_space<hbm>>
    %dma_wait3A_249 = arith.constant 64 : i32
    %dma_wait3A_250 = arith.constant 0 : i32
    %dma_wait3A_251 = tpu.memref_slice %arg7[%dma_wait3A_249, %dma_wait3A_250] : memref<256x128xf32, #tpu.memory_space<vmem>> -> memref<64x128xf32, #tpu.memory_space<vmem>>
    tpu.wait_dma2 semaphore(%dma_wait3A_246 : memref<!tpu.dma_semaphore, #tpu.memory_space<semaphore_mem>>) src(%dma_wait3A_251 : memref<64x128xf32, #tpu.memory_space<vmem>>) dst(%dma_wait3A_248 : memref<64x128xf32, #tpu.memory_space<hbm>>)
    %dma_wait3A_252 = arith.constant 2 : i32
    %dma_wait3A_253 = arith.constant 128 : i32
    %dma_wait3A_254 = arith.constant 0 : i32
    %dma_wait3A_255 = tpu.memref_slice %arg7[%dma_wait3A_253, %dma_wait3A_254] : memref<256x128xf32, #tpu.memory_space<vmem>> -> memref<64x128xf32, #tpu.memory_space<vmem>>
    %dma_wait3A_256 = arith.constant 0 : i32
    %dma_wait3A_257 = tpu.memref_slice %arg5[%add3A_197, %dma_wait3A_256] : memref<8192x128xf32, #tpu.memory_space<hbm>> -> memref<64x128xf32, #tpu.memory_space<hbm>>
    %dma_wait3A_258 = tpu.memref_slice %arg10[%dma_wait3A_252] : memref<4x!tpu.dma_semaphore, #tpu.memory_space<semaphore_mem>> -> memref<1x!tpu.dma_semaphore, #tpu.memory_space<semaphore_mem>>
    %dma_wait3A_259 = tpu.memref_squeeze %dma_wait3A_258 : memref<1x!tpu.dma_semaphore, #tpu.memory_space<semaphore_mem>> -> memref<!tpu.dma_semaphore, #tpu.memory_space<semaphore_mem>>
    %dma_wait3A_260 = arith.constant 0 : i32
    %dma_wait3A_261 = tpu.memref_slice %arg5[%add3A_197, %dma_wait3A_260] : memref<8192x128xf32, #tpu.memory_space<hbm>> -> memref<64x128xf32, #tpu.memory_space<hbm>>
    %dma_wait3A_262 = arith.constant 128 : i32
    %dma_wait3A_263 = arith.constant 0 : i32
    %dma_wait3A_264 = tpu.memref_slice %arg7[%dma_wait3A_262, %dma_wait3A_263] : memref<256x128xf32, #tpu.memory_space<vmem>> -> memref<64x128xf32, #tpu.memory_space<vmem>>
    tpu.wait_dma2 semaphore(%dma_wait3A_259 : memref<!tpu.dma_semaphore, #tpu.memory_space<semaphore_mem>>) src(%dma_wait3A_264 : memref<64x128xf32, #tpu.memory_space<vmem>>) dst(%dma_wait3A_261 : memref<64x128xf32, #tpu.memory_space<hbm>>)
    %dma_wait3A_265 = arith.constant 3 : i32
    %dma_wait3A_266 = arith.constant 192 : i32
    %dma_wait3A_267 = arith.constant 0 : i32
    %dma_wait3A_268 = tpu.memref_slice %arg7[%dma_wait3A_266, %dma_wait3A_267] : memref<256x128xf32, #tpu.memory_space<vmem>> -> memref<64x128xf32, #tpu.memory_space<vmem>>
    %dma_wait3A_269 = arith.constant 0 : i32
    %dma_wait3A_270 = tpu.memref_slice %arg5[%add3A_212, %dma_wait3A_269] : memref<8192x128xf32, #tpu.memory_space<hbm>> -> memref<64x128xf32, #tpu.memory_space<hbm>>
    %dma_wait3A_271 = tpu.memref_slice %arg10[%dma_wait3A_265] : memref<4x!tpu.dma_semaphore, #tpu.memory_space<semaphore_mem>> -> memref<1x!tpu.dma_semaphore, #tpu.memory_space<semaphore_mem>>
    %dma_wait3A_272 = tpu.memref_squeeze %dma_wait3A_271 : memref<1x!tpu.dma_semaphore, #tpu.memory_space<semaphore_mem>> -> memref<!tpu.dma_semaphore, #tpu.memory_space<semaphore_mem>>
    %dma_wait3A_273 = arith.constant 0 : i32
    %dma_wait3A_274 = tpu.memref_slice %arg5[%add3A_212, %dma_wait3A_273] : memref<8192x128xf32, #tpu.memory_space<hbm>> -> memref<64x128xf32, #tpu.memory_space<hbm>>
    %dma_wait3A_275 = arith.constant 192 : i32
    %dma_wait3A_276 = arith.constant 0 : i32
    %dma_wait3A_277 = tpu.memref_slice %arg7[%dma_wait3A_275, %dma_wait3A_276] : memref<256x128xf32, #tpu.memory_space<vmem>> -> memref<64x128xf32, #tpu.memory_space<vmem>>
    tpu.wait_dma2 semaphore(%dma_wait3A_272 : memref<!tpu.dma_semaphore, #tpu.memory_space<semaphore_mem>>) src(%dma_wait3A_277 : memref<64x128xf32, #tpu.memory_space<vmem>>) dst(%dma_wait3A_274 : memref<64x128xf32, #tpu.memory_space<hbm>>)
    return
  }
}

</mosaic_0001>

<sc_bundles>
// kernel: kernel.3.cloned.1.call-start
scs
__scs_entry_jumppad:
0x0: {  	(pc) =	sbr.rel $0x88, $3  }
0x1: {  	(tag) =	ssettag $0x0;
	lr =	simm.s32 $0x1  }
0x2: {  	[smem:$0x3F9E] =	sst lr;
	_ =	strace $0xD0000000  }
0x3: {  	_ = 	snop  }
0x4: {  	_ = 	snop  }
0x5: {  	_ = 	snop  }
0x6: {  	_ = 	snop  }
0x7: {  	_ = 	snop  }
__scs_overlays_trampoline_lowered:
0x8: {  	[smem:$0x3FAD] =	sst s0  }
0x9: {  	[smem:$0x3FAE] =	sst s1  }
0xa: {  	[smem:$0x3FAF] =	sst s2  }
0xb: {  	[smem:$0x3FB0] =	sst s3  }
0xc: {  	[smem:$0x3FB1] =	sst s4  }
0xd: {  	[smem:$0x3FB2] =	sst s5  }
0xe: {  	[smem:$0x3FB3] =	sst s6  }
0xf: {  	[smem:$0x3FB4] =	sst s7  }
0x10: {  	[smem:$0x3FB5] =	sst s8  }
0x11: {  	[smem:$0x3FB6] =	sst s9;
	s0 =	simm.s32 @!p0 $0x0  }
0x12: {  	s1 =	sld [smem:$0x3F9C];
	s0 =	simm.s32 @p0 $0x1  }
0x13: {  	[smem:$0x3FB7] =	sst s0;
	s0 =	simm.s32 @!p1 $0x0  }
0x14: {  	s2 =	sld [smem:$0x3F9B];
	s0 =	simm.s32 @p1 $0x1  }
0x15: {  	[smem:$0x3FB8] =	sst s0;
	s0 =	simm.s32 @!p2 $0x0  }
0x16: {  	s3 =	sld [smem:$0x3FDB];
	s0 =	simm.s32 @p2 $0x1  }
0x17: {  	s4 =	simm.s32 $0x1BF5;
	[smem:$0x3FBA] =	sst s0  }
0x18: {  	s0 =	sld [smem:$0x3F9D];
	_ =	swait.ge [sflag:s4], $0x0  }
0x19: {  	s7 =	sld [smem:$0x3F9E]  }
0x1a: {  	s8 =	sadd.s32 $0xFFFFE003, lr  }
0x1b: {  	s9 =	sadd.s32 $0xFFFFFEF7, lr;
	s5 =	simm.s32 $0xFFFFFFFF;
	p2 =	slt.u32 s8, $0xFFFFF086  }
0x1c: {  	p1 =	slt.u32 s9, $0xF7A;
	s5 =	simm.s32 @!p2 $0x0  }
0x1d: {  	s5 =	simm.s32 @p1 $0x1;
	p0 =	seq.s32 s7, s2  }
0x1e: {  	s7 =	smul.u32 @!p0 $0xF7A, s2;
	p2 =	seq.s32 @!p0 s5, $0x0  }
0x1f: {  	s9 =	smul.u32 $0xF7A, s1;
	s8 =	simm.s32 @!p0 $0x1BF5;
	p2 =	por !p2, p0  }
0x20: {  	[sflag:s8] =	ssyncset.s32 @!p0 $0xFFFFF086;
	s6 =	sadd.s32 @!p0 s3, s7;
	s7 =	simm.s32 @!p0 $0x108  }
0x21: {  	s3 =	sadd.s32 s3, s9;
	s6 =	sadd.s32 @!p0 $0x88, s6;
	s7 =	simm.s32 @p2 $0x1082  }
0x22: {  	[simem:s7], [sflag:s8] =	dma.local @!p0 [hbm:s6], $0xF7A  }
0x23: {  	s9 =	sor.u32 $0xD0000000, s2;
	s6 =	simm.s32 $0x108;
	_ =	swait.ge @!p0 [sflag:s8], $0x0  }
0x24: {  	s3 =	sadd.s32 $0x88, s3;
	s6 =	simm.s32 @!p1 $0x1082;
	[sflag:s4] =	ssyncset.s32 $0xFFFFF086  }
0x25: {  	[simem:s6], [sflag:s4] =	dma.local [hbm:s3], $0xF7A  }
0x26: {  	[smem:$0x3F9E] =	sst s1;
	(tag) =	ssettag s2;
	_ =	strace s9  }
0x27: {  	s1 =	sld [smem:$0x3FAE]  }
0x28: {  	s2 =	sld [smem:$0x3FAF]  }
0x29: {  	s4 =	sld [smem:$0x3FB1]  }
0x2a: {  	p0 =	seq.s32 s5, $0x0;
	s5 =	sld [smem:$0x3FB2]  }
0x2b: {  	s6 =	sld [smem:$0x3FB3]  }
0x2c: {  	s7 =	sld [smem:$0x3FB4]  }
0x2d: {  	s3 =	simm.s32 $0x108;
	s8 =	sld [smem:$0x3FB5]  }
0x2e: {  	s3 =	simm.s32 @!p0 $0x1082;
	s9 =	sld [smem:$0x3FB6]  }
0x2f: {  	lr =	sadd.s32 s0, s3;
	s0 =	sld [smem:$0x3FAD]  }
0x30: {  	s3 =	sld [smem:$0x3FB0]  }
0x31: {  	[smem:$0x3FB9] =	sst s10  }
0x32: {  	s10 =	sld [smem:$0x3FB7];
	_ =	sdelay $0x3  }
0x33: {  	p0 =	seq.s32 s10, $0x1;
	s10 =	sld [smem:$0x3FB9];
	_ =	sdelay $0x3  }
0x34: {  	[smem:$0x3FB9] =	sst s10  }
0x35: {  	s10 =	sld [smem:$0x3FB8];
	_ =	sdelay $0x3  }
0x36: {  	p1 =	seq.s32 s10, $0x1;
	s10 =	sld [smem:$0x3FB9];
	_ =	sdelay $0x3  }
0x37: {  	[smem:$0x3FB9] =	sst s10  }
0x38: {  	s10 =	sld [smem:$0x3FBA]  }
0x39: {  	_ = 	snop;
	(pc) =	sbr.ind lr, $3  }
0x3a: {  	_ = 	snop  }
0x3b: {  	_ = 	snop  }
0x3c: {  	p2 =	seq.s32 s10, $0x1;
	s10 =	sld [smem:$0x3FB9]  }
0x3d: {  	_ =	shalt  }
0x3e: {  	_ =	shalt  }
0x3f: {  	_ =	shalt  }
0x40: {  	_ =	shalt  }
0x41: {  	_ =	shalt  }
0x42: {  	_ =	shalt  }
0x43: {  	_ =	shalt  }
0x44: {  	_ =	shalt  }
0x45: {  	_ =	shalt  }
0x46: {  	_ =	shalt  }
0x47: {  	_ =	shalt  }
0x48: {  	_ =	shalt  }
0x49: {  	_ =	shalt  }
0x4a: {  	_ =	shalt  }
0x4b: {  	_ =	shalt  }
0x4c: {  	_ =	shalt  }
0x4d: {  	_ =	shalt  }
0x4e: {  	_ =	shalt  }
0x4f: {  	_ =	shalt  }
0x50: {  	_ =	shalt  }
0x51: {  	_ =	shalt  }
0x52: {  	_ =	shalt  }
0x53: {  	_ =	shalt  }
0x54: {  	_ =	shalt  }
0x55: {  	_ =	shalt  }
0x56: {  	_ =	shalt  }
0x57: {  	_ =	shalt  }
0x58: {  	_ =	shalt  }
0x59: {  	_ =	shalt  }
0x5a: {  	_ =	shalt  }
0x5b: {  	_ =	shalt  }
0x5c: {  	_ =	shalt  }
0x5d: {  	_ =	shalt  }
0x5e: {  	_ =	shalt  }
0x5f: {  	_ =	shalt  }
0x60: {  	_ =	shalt  }
0x61: {  	_ =	shalt  }
0x62: {  	_ =	shalt  }
0x63: {  	_ =	shalt  }
0x64: {  	_ =	shalt  }
0x65: {  	_ =	shalt  }
0x66: {  	_ =	shalt  }
0x67: {  	_ =	shalt  }
0x68: {  	_ =	shalt  }
0x69: {  	_ =	shalt  }
0x6a: {  	_ =	shalt  }
0x6b: {  	_ =	shalt  }
0x6c: {  	_ =	shalt  }
0x6d: {  	_ =	shalt  }
0x6e: {  	_ =	shalt  }
0x6f: {  	_ =	shalt  }
0x70: {  	_ =	shalt  }
0x71: {  	_ =	shalt  }
0x72: {  	_ =	shalt  }
0x73: {  	_ =	shalt  }
0x74: {  	_ =	shalt  }
0x75: {  	_ =	shalt  }
0x76: {  	_ =	shalt  }
0x77: {  	_ =	shalt  }
0x78: {  	_ =	shalt  }
0x79: {  	_ =	shalt  }
0x7a: {  	_ =	shalt  }
0x7b: {  	_ =	shalt  }
0x7c: {  	_ =	shalt  }
0x7d: {  	_ =	shalt  }
0x7e: {  	_ =	shalt  }
0x7f: {  	_ =	shalt  }
0x80: {  	_ =	shalt  }
0x81: {  	_ =	shalt  }
0x82: {  	_ =	shalt  }
0x83: {  	_ =	shalt  }
0x84: {  	_ =	shalt  }
0x85: {  	_ =	shalt  }
0x86: {  	_ =	shalt  }
0x87: {  	_ =	shalt  }
.Lfunc_end0:
.L_simem_size_0:
called_computation_lowered:
.L_overlay_start_0:
0x88: {  	s2 =	sld [smem:$0x3FD9]  }
0x89: {  	s3 =	sld [smem:$0x3FFE];
	_ =	sdelay $0x1  }
0x8a: {  	s1 =	srdreg.scid  }
0x8b: {  	s0 =	sand.u32 $0x1, s1  }
0x8c: {  	s18 =	sshll.u32 s0, $0xA;
	s2 =	sadd.s32 s3, s2  }
0x8d: {  	s2 =	sadd.s32 s2, s18  }
0x8e: {  	[smem:$0x3FC5] =	sst s2  }
0x8f: {  	_ = 	snop  }
0x90: {  	s2 =	sld [smem:$0x3FC9]  }
0x91: {  	s19 =	sld [smem:$0x3FC8]  }
0x92: {  	s4 =	sld [smem:$0x3FC7]  }
0x93: {  	s5 =	sld [smem:$0x3FD0];
	(tm) =	ssettm $0x1  }
0x94: {  	s6 =	sld [smem:$0x3FFB];
	_ =	sdelay $0x3  }
0x95: {  	_ =	strace s6  }
0x96: {  	s6 =	sld [smem:$0x3FFC];
	_ =	sdelay $0x3  }
0x97: {  	_ =	strace s6  }
0x98: {  	s6 =	sld [smem:$0x3FFD];
	_ =	sdelay $0x3  }
0x99: {  	_ =	strace s6  }
0x9a: {  	_ =	strace $0x8FFFFFFF  }
0x9b: {  	s20 =	sld [smem:$0x3FDB];
	_ =	sdelay $0x1  }
0x9c: {  	s7 =	simm.s32 $_scs_section_size  }
0x9d: {  	s8 =	simm.s32 $_size__tile_overlayer_lowered;
	s9 =	simm.s32 $_tile_overlayer_lowered  }
0x9e: {  	s23 =	simm.s32 $0x1BFF;
	s22 =	sshll.u32 s9, $0x1;
	s6 =	sadd.s32 s7, s20  }
0x9f: {  	s10 =	simm.s32 $0x0;
	s21 =	sshll.u32 s8, $0x1;
	s8 =	sadd.s32 s22, s6  }
0xa0: {  	[timem:s10], [sflag:s23] =	dma.local [hbm:s8], s21  }
0xa1: {  	_ =	swait.ge [sflag:s23], s21  }
0xa2: {  	s7 =	ssub.s32 $0x0, s21;
	[sflag:s23] =	ssyncset.done $0x0  }
0xa3: {  	[sflag:s23] =	ssyncadd.s32 s7;
	_ =	sdelay $0x1  }
0xa4: {  	s24 =	simm.s32 $0x1B8B  }
0xa5: {  	_ =	swait.ge [sflag:s24], $0x1  }
0xa6: {  	[sflag:s24] =	ssyncset.done $0x0  }
0xa7: {  	s25 =	simm.s32 $0x1B8E;
	[sflag:s24] =	ssyncadd.s32 $0xFFFFFFFF  }
0xa8: {  	s26 =	simm.s32 $execute0_lowered;
	[smem:$0x3FD2] =	sst s25  }
0xa9: {  	s7 =	sshll.u32 s26, $0x1;
	_ =	strace $0x80000046;
	[dreg:$0x1] =	wrdreg $0xFFFFFFFF  }
0xaa: {  	s28 =	simm.s32 $_size_execute0_lowered;
	s6 =	sadd.s32 s6, s7;
	[dreg:$0x0] =	wrdreg $0x0  }
0xab: {  	s7 =	sshll.u32 s28, $0x1;
	[dreg:$0x2] =	wrdreg s6  }
0xac: {  	[dreg:$0x3] =	wrdreg s7  }
0xad: {  	[dreg:$0x4] =	wrdreg $0xC0  }
0xae: {  	_ =	task [dreg:s10], $0x5FFFF  }
0xaf: {  	[dreg:$0x1] =	wrdreg $0xFFFFFFFF  }
0xb0: {  	[dreg:$0x0] =	wrdreg $0x60  }
0xb1: {  	[dreg:$0x2] =	wrdreg s2  }
0xb2: {  	[dreg:$0x3] =	wrdreg s19  }
0xb3: {  	[dreg:$0x4] =	wrdreg s4  }
0xb4: {  	[dreg:$0x5] =	wrdreg s5  }
0xb5: {  	[dreg:$0x6] =	wrdreg $0x9  }
0xb6: {  	_ =	task.clear_ibuf [dreg:s10], $0x7FFFF;
	_ =	strace $0x90000046  }
0xb7: {  	s29 =	simm.s32 $0x9;
	_ =	strace $0x80000048  }
0xb8: {  	_ =	swait.ge [sflag:s29], $0x1  }
0xb9: {  	[sflag:s29] =	ssyncadd.s32 $0xFFFFFFFF  }
0xba: {  	_ =	strace $0x90000048  }
0xbb: {  	_ =	sfence  }
0xbc: {  	s30 =	sld [smem:$0x0];
	_ =	sdelay $0x2  }
0xbd: {  	s31 =	sshll.u32 s1, $0xD;
	s1 =	sshrl.u32 s1, $0x2  }
0xbe: {  	s3 =	sand.u32 $0x4000, s31;
	s1 =	sadd.s32 s1, s30  }
0xbf: {  	s0 =	sor.u32 s3, s0;
	s1 =	sshll.u32 s1, $0x11  }
0xc0: {  	s0 =	sor.u32 s1, s0  }
0xc1: {  	s0 =	sadd.s32 $0x8F2B, s0  }
0xc2: {  	[sflag:s0] =	ssyncadd.remote.s32 $0x1  }
0xc3: {  	_ =	sfence.sel $0xFFFF  }
0xc4: {  	[dreg:$0x0] =	wrdreg $0xFFFFFFFF;
	(pc) =	sbr.abs _section_cstart, $3  }
0xc5: {  	[dreg:$0x1] =	wrdreg $0xFFFFFFFF  }
0xc6: {  	_ =	task.clear_ibuf [dreg:s10], $0x2FFFF;
	_ =	strace $0x9FFFFFFF  }
0xc7: {  	(tm) =	ssettm $0x7FFFFFFF  }
tec
execute0_lowered:
.L_overlay_start_1:
0x0: {  	(tag) =	ssettag $0x1  }
0x1: {  	s0 =	rddreg [dreg:$0x0]  }
0x2: {  	s1 =	rddreg [dreg:$0x1]  }
0x3: {  	s2 =	srdreg.scid;
	s8 =	rddreg [dreg:$0x2]  }
0x4: {  	s3 =	stileid.u32;
	s9 =	rddreg [dreg:$0x3];
	s14 =	simm.s32 $0x40  }
0x5: {  	s15 =	simm.s32 $0x80;
	s16 =	simm.s32 $0xC0;
	s17 =	simm.s32 $0x8  }
0x6: {  	s18 =	simm.s32 $0x100;
	s19 =	simm.s32 $0x4100;
	s20 =	simm.s32 $0x8100  }
0x7: {  	s21 =	simm.s32 $0x7;
	s22 =	simm.s32 $0x1;
	s23 =	simm.s32 $0x2100  }
0x8: {  	s28 =	simm.s32 $0x4;
	s29 =	simm.s32 $0x5;
	s2 =	sand.u32 $0x1, s2  }
0x9: {  	s30 =	simm.s32 $0x6;
	s3 =	sshll.u32 s3, $0x7;
	s4 =	sshll.u32 s2, $0x6  }
0xa: {  	s31 =	simm.s32 $0x0;
	s2 =	ssub.s32 $0x2, s2;
	s7 =	sor.u32 s4, s3  }
0xb: {  	s3 =	simm.s32 $0x0;
	s10 =	sshrl.u32 s2, $0x1;
	s5 =	sshll.u32 s7, $0x2  }
0xc: {  	[smem:$0x7FF] =	sst s3;
	s2 =	ssub.s32 s2, s10;
	s26 =	sshll.u32 s7, $0x4  }
0xd: {  	s6 =	sand.u32 $0x1E00, s5;
	_ =	strace $0x80000047;
	s5 =	sor.u32 s4, s5  }
0xe: {  	s8 =	sadd.s32 s8, s26;
	s9 =	sadd.s32 s9, s26;
	s13 =	smax.u32 s2, $0x1  }
0xf: {  	s26 =	simm.s32 $0x3;
	s6 =	sor.u32 s4, s6;
	s11 =	sshrl.u32 s5, $0x3  }
0x10: {  	s10 =	sadd.s32 $0x8000, s9;
	s12 =	sadd.s32 $0x18000, s9;
	s6 =	sshrl.u32 s6, $0x3  }
0x11: {  	s24 =	sor.u32 $0x20, s11;
	s25 =	sor.u32 $0x30, s11;
	s11 =	sadd.s32 $0x10000, s9  }
0x12: {  	s4 =	sadd.s32 s0, s6;
	s6 =	sadd.s32 s0, s24;
	s7 =	sadd.s32 s0, s25  }
0x13: {  	s24 =	simm.s32 $0x2;
	s25 =	simm.s32 $0x6100;
	s5 =	sadd.s32 $0x10, s4  }
.LBB2_1:
0x14: {  	[tilespmem:s3], [sflag:$0x8] =	stream.linear.gather [hbm4b:s4+s3], $0x40, $0x38;
	[tilespmem:$0xA100] =	vst v63  }
0x15: {  	_ = 	snop  }
0x16: {  	[tilespmem:s14], [sflag:$0x8] =	stream.linear.gather [hbm4b:s5+s3], $0x40, $0x38;
	[tilespmem:$0xA100] =	vst v63  }
0x17: {  	_ = 	snop  }
0x18: {  	[tilespmem:s15], [sflag:$0x8] =	stream.linear.gather [hbm4b:s6+s3], $0x40, $0x38;
	[tilespmem:$0xA100] =	vst v63  }
0x19: {  	_ = 	snop  }
0x1a: {  	[tilespmem:s16], [sflag:$0x8] =	stream.linear.gather [hbm4b:s7+s3], $0x40, $0x38;
	[tilespmem:$0xA100] =	vst v63  }
0x1b: {  	_ =	swait.ge [sflag:s17], $0x40  }
0x1c: {  	[sflag:s17] =	ssyncset.done $0x0  }
0x1d: {  	[sflag:s17] =	ssyncadd.s32 $0xFFFFFFC0  }
0x1e: {  	_ =	swait.ge [sflag:s17], $0x40  }
0x1f: {  	[sflag:s17] =	ssyncset.done $0x0  }
0x20: {  	[sflag:s17] =	ssyncadd.s32 $0xFFFFFFC0  }
0x21: {  	[tilespmem:s18], [sflag:$0x1] =	stream.indirect.gather [hbm4b:s1+s15], $0x80, s3, s15, $0xb8;
	[tilespmem:$0xA100] =	vst v63  }
0x22: {  	_ =	swait.ge [sflag:s17], $0x40  }
0x23: {  	[sflag:s17] =	ssyncset.done $0x0  }
0x24: {  	[sflag:s17] =	ssyncadd.s32 $0xFFFFFFC0  }
0x25: {  	_ =	swait.ge [sflag:s17], $0x40  }
0x26: {  	[sflag:s17] =	ssyncset.done $0x0  }
0x27: {  	[sflag:s17] =	ssyncadd.s32 $0xFFFFFFC0  }
0x28: {  	[tilespmem:s19], [sflag:$0x2] =	stream.indirect.gather [hbm4b:s1+s15], $0x80, s15, s15, $0xb8;
	[tilespmem:$0xA100] =	vst v63  }
0x29: {  	_ = 	snop  }
0x2a: {  	[tilespmem:s20], [sflag:$0x7] =	stream.linear.gather [hbm4b:s8+s3], $0x2000, $0x38;
	[tilespmem:$0xA100] =	vst v63  }
0x2b: {  	_ =	swait.ge [sflag:s21], $0x2000  }
0x2c: {  	[sflag:s21] =	ssyncset.done $0x0  }
0x2d: {  	[sflag:s21] =	ssyncadd.s32 $0xFFFFE000  }
0x2e: {  	_ =	swait.ge [sflag:s22], $0x4000  }
0x2f: {  	[sflag:s22] =	ssyncset.done $0x0  }
0x30: {  	s2 =	simm.s32 $0x0;
	s0 =	simm.s32 $0x200;
	[sflag:s22] =	ssyncadd.s32 $0xFFFFC000  }
.LBB2_2:
0x31: {  	p0 =	sne.s32 s0, $0x7E00;
	v0 =	vld [tilespmem:s2+$0x8170]  }
0x32: {  	v1 =	vld [tilespmem:s2+$0x8100]  }
0x33: {  	v2 =	vld [tilespmem:s2+$0x8110]  }
0x34: {  	v3 =	vld [tilespmem:s2+$0x8120]  }
0x35: {  	v4 =	vld [tilespmem:s2+$0x8130]  }
0x36: {  	[tilespmem:s2+$0x2170] =	vst.add.f32.msk $0xffff, v0  }
0x37: {  	v5 =	vld [tilespmem:s2+$0x8140]  }
0x38: {  	v6 =	vld [tilespmem:s2+$0x8150]  }
0x39: {  	v7 =	vld [tilespmem:s2+$0x8160]  }
0x3a: {  	[tilespmem:s2+$0x100] =	vst.add.f32.msk $0xffff, v1  }
0x3b: {  	[tilespmem:s2+$0x2100] =	vst.add.f32.msk $0xffff, v1  }
0x3c: {  	[tilespmem:s2+$0x110] =	vst.add.f32.msk $0xffff, v2  }
0x3d: {  	[tilespmem:s2+$0x2110] =	vst.add.f32.msk $0xffff, v2  }
0x3e: {  	[tilespmem:s2+$0x120] =	vst.add.f32.msk $0xffff, v3  }
0x3f: {  	[tilespmem:s2+$0x2120] =	vst.add.f32.msk $0xffff, v3  }
0x40: {  	[tilespmem:s2+$0x130] =	vst.add.f32.msk $0xffff, v4  }
0x41: {  	[tilespmem:s2+$0x2130] =	vst.add.f32.msk $0xffff, v4  }
0x42: {  	[tilespmem:s2+$0x140] =	vst.add.f32.msk $0xffff, v5  }
0x43: {  	[tilespmem:s2+$0x2140] =	vst.add.f32.msk $0xffff, v5  }
.Ltmp0:
0x44: {  	[tilespmem:s2+$0x150] =	vst.add.f32.msk $0xffff, v6;
	(pc) =	sbr.rel @p0 .LBB2_2-.Ltmp0, $4  }
0x45: {  	[tilespmem:s2+$0x2150] =	vst.add.f32.msk $0xffff, v6  }
0x46: {  	[tilespmem:s2+$0x160] =	vst.add.f32.msk $0xffff, v7  }
0x47: {  	[tilespmem:s2+$0x2160] =	vst.add.f32.msk $0xffff, v7  }
0x48: {  	[tilespmem:s2+$0x170] =	vst.add.f32.msk $0xffff, v0;
	s2 =	sshra.s32 s0, $0x2;
	s0 =	sadd.s32 $0x200, s0  }
0x49: {  	v0 =	vld [tilespmem:s2+$0x8170]  }
0x4a: {  	v1 =	vld [tilespmem:s2+$0x8100]  }
0x4b: {  	v2 =	vld [tilespmem:s2+$0x8110]  }
0x4c: {  	v3 =	vld [tilespmem:s2+$0x8120]  }
0x4d: {  	v4 =	vld [tilespmem:s2+$0x8130]  }
0x4e: {  	v5 =	vld [tilespmem:s2+$0x8140]  }
0x4f: {  	v6 =	vld [tilespmem:s2+$0x8150]  }
0x50: {  	v7 =	vld [tilespmem:s2+$0x8160]  }
0x51: {  	[tilespmem:s2+$0x2170] =	vst.add.f32.msk $0xffff, v0  }
0x52: {  	[tilespmem:s2+$0x100] =	vst.add.f32.msk $0xffff, v1  }
0x53: {  	[tilespmem:s2+$0x2100] =	vst.add.f32.msk $0xffff, v1  }
0x54: {  	[tilespmem:s2+$0x110] =	vst.add.f32.msk $0xffff, v2  }
0x55: {  	[tilespmem:s2+$0x2110] =	vst.add.f32.msk $0xffff, v2  }
0x56: {  	[tilespmem:s2+$0x120] =	vst.add.f32.msk $0xffff, v3  }
0x57: {  	[tilespmem:s2+$0x2120] =	vst.add.f32.msk $0xffff, v3  }
0x58: {  	[tilespmem:s2+$0x130] =	vst.add.f32.msk $0xffff, v4  }
0x59: {  	[tilespmem:s2+$0x2130] =	vst.add.f32.msk $0xffff, v4  }
0x5a: {  	[tilespmem:s2+$0x140] =	vst.add.f32.msk $0xffff, v5  }
0x5b: {  	[tilespmem:s2+$0x2140] =	vst.add.f32.msk $0xffff, v5  }
0x5c: {  	[tilespmem:s2+$0x150] =	vst.add.f32.msk $0xffff, v6  }
0x5d: {  	[tilespmem:s2+$0x2150] =	vst.add.f32.msk $0xffff, v6  }
0x5e: {  	[tilespmem:s2+$0x160] =	vst.add.f32.msk $0xffff, v7  }
0x5f: {  	[tilespmem:s2+$0x2160] =	vst.add.f32.msk $0xffff, v7  }
0x60: {  	s0 =	simm.s32 $0x0;
	[tilespmem:s2+$0x170] =	vst.add.f32.msk $0xffff, v0  }
0x61: {  	[hbm4b:s9+s0] =	stream.linear.scatter [tilespmem:s18], [sflag:$0x3], $0x2000, $0x38;
	[tilespmem:$0xA100] =	vst v63  }
0x62: {  	_ = 	snop  }
0x63: {  	[hbm4b:s10+s0] =	stream.linear.scatter [tilespmem:s23], [sflag:$0x4], $0x2000, $0x38;
	[tilespmem:$0xA100] =	vst v63  }
0x64: {  	_ =	swait.ge [sflag:s24], $0x4000  }
0x65: {  	[sflag:s24] =	ssyncset.done $0x0  }
0x66: {  	s2 =	simm.s32 $0x0;
	s0 =	simm.s32 $0x200;
	[sflag:s24] =	ssyncadd.s32 $0xFFFFC000  }
.LBB2_4:
0x67: {  	p0 =	sne.s32 s0, $0x7E00;
	v0 =	vld [tilespmem:s2+$0x8170]  }
0x68: {  	v1 =	vld [tilespmem:s2+$0x8100]  }
0x69: {  	v2 =	vld [tilespmem:s2+$0x8110]  }
0x6a: {  	v3 =	vld [tilespmem:s2+$0x8120]  }
0x6b: {  	v4 =	vld [tilespmem:s2+$0x8130]  }
0x6c: {  	[tilespmem:s2+$0x6170] =	vst.add.f32.msk $0xffff, v0  }
0x6d: {  	v5 =	vld [tilespmem:s2+$0x8140]  }
0x6e: {  	v6 =	vld [tilespmem:s2+$0x8150]  }
0x6f: {  	v7 =	vld [tilespmem:s2+$0x8160]  }
0x70: {  	[tilespmem:s2+$0x4100] =	vst.add.f32.msk $0xffff, v1  }
0x71: {  	[tilespmem:s2+$0x6100] =	vst.add.f32.msk $0xffff, v1  }
0x72: {  	[tilespmem:s2+$0x4110] =	vst.add.f32.msk $0xffff, v2  }
0x73: {  	[tilespmem:s2+$0x6110] =	vst.add.f32.msk $0xffff, v2  }
0x74: {  	[tilespmem:s2+$0x4120] =	vst.add.f32.msk $0xffff, v3  }
0x75: {  	[tilespmem:s2+$0x6120] =	vst.add.f32.msk $0xffff, v3  }
0x76: {  	[tilespmem:s2+$0x4130] =	vst.add.f32.msk $0xffff, v4  }
0x77: {  	[tilespmem:s2+$0x6130] =	vst.add.f32.msk $0xffff, v4  }
0x78: {  	[tilespmem:s2+$0x4140] =	vst.add.f32.msk $0xffff, v5  }
0x79: {  	[tilespmem:s2+$0x6140] =	vst.add.f32.msk $0xffff, v5  }
.Ltmp1:
0x7a: {  	[tilespmem:s2+$0x4150] =	vst.add.f32.msk $0xffff, v6;
	(pc) =	sbr.rel @p0 .LBB2_4-.Ltmp1, $4  }
0x7b: {  	[tilespmem:s2+$0x6150] =	vst.add.f32.msk $0xffff, v6  }
0x7c: {  	[tilespmem:s2+$0x4160] =	vst.add.f32.msk $0xffff, v7  }
0x7d: {  	[tilespmem:s2+$0x6160] =	vst.add.f32.msk $0xffff, v7  }
0x7e: {  	[tilespmem:s2+$0x4170] =	vst.add.f32.msk $0xffff, v0;
	s2 =	sshra.s32 s0, $0x2;
	s0 =	sadd.s32 $0x200, s0  }
0x7f: {  	v0 =	vld [tilespmem:s2+$0x8170]  }
0x80: {  	v1 =	vld [tilespmem:s2+$0x8100]  }
0x81: {  	v2 =	vld [tilespmem:s2+$0x8110]  }
0x82: {  	v3 =	vld [tilespmem:s2+$0x8120]  }
0x83: {  	v4 =	vld [tilespmem:s2+$0x8130]  }
0x84: {  	v5 =	vld [tilespmem:s2+$0x8140]  }
0x85: {  	v6 =	vld [tilespmem:s2+$0x8150]  }
0x86: {  	v7 =	vld [tilespmem:s2+$0x8160]  }
0x87: {  	[tilespmem:s2+$0x6170] =	vst.add.f32.msk $0xffff, v0  }
0x88: {  	[tilespmem:s2+$0x4100] =	vst.add.f32.msk $0xffff, v1  }
0x89: {  	[tilespmem:s2+$0x6100] =	vst.add.f32.msk $0xffff, v1  }
0x8a: {  	[tilespmem:s2+$0x4110] =	vst.add.f32.msk $0xffff, v2  }
0x8b: {  	[tilespmem:s2+$0x6110] =	vst.add.f32.msk $0xffff, v2  }
0x8c: {  	[tilespmem:s2+$0x4120] =	vst.add.f32.msk $0xffff, v3  }
0x8d: {  	[tilespmem:s2+$0x6120] =	vst.add.f32.msk $0xffff, v3  }
0x8e: {  	[tilespmem:s2+$0x4130] =	vst.add.f32.msk $0xffff, v4  }
0x8f: {  	[tilespmem:s2+$0x6130] =	vst.add.f32.msk $0xffff, v4  }
0x90: {  	[tilespmem:s2+$0x4140] =	vst.add.f32.msk $0xffff, v5  }
0x91: {  	[tilespmem:s2+$0x6140] =	vst.add.f32.msk $0xffff, v5  }
0x92: {  	[tilespmem:s2+$0x4150] =	vst.add.f32.msk $0xffff, v6  }
0x93: {  	[tilespmem:s2+$0x6150] =	vst.add.f32.msk $0xffff, v6  }
0x94: {  	[tilespmem:s2+$0x4160] =	vst.add.f32.msk $0xffff, v7  }
0x95: {  	[tilespmem:s2+$0x6160] =	vst.add.f32.msk $0xffff, v7  }
0x96: {  	[tilespmem:s2+$0x4170] =	vst.add.f32.msk $0xffff, v0  }
0x97: {  	[hbm4b:s11+s3] =	stream.linear.scatter [tilespmem:s19], [sflag:$0x5], $0x2000, $0x38;
	[tilespmem:$0xA100] =	vst v63  }
0x98: {  	_ = 	snop  }
0x99: {  	[hbm4b:s12+s3] =	stream.linear.scatter [tilespmem:s25], [sflag:$0x6], $0x2000, $0x38;
	[tilespmem:$0xA100] =	vst v63  }
0x9a: {  	_ =	swait.ge [sflag:s26], $0x2000  }
0x9b: {  	[sflag:s26] =	ssyncset.done $0x0  }
0x9c: {  	[sflag:s26] =	ssyncadd.s32 $0xFFFFE000  }
0x9d: {  	_ =	swait.ge [sflag:s28], $0x2000  }
0x9e: {  	[sflag:s28] =	ssyncset.done $0x0  }
0x9f: {  	s31 =	sadd.s32 $0x1, s31;
	[sflag:s28] =	ssyncadd.s32 $0xFFFFE000  }
0xa0: {  	p0 =	sne.s32 s31, s13;
	_ =	swait.ge [sflag:s29], $0x2000  }
.Ltmp2:
0xa1: {  	[sflag:s29] =	ssyncset.done $0x0;
	(pc) =	sbr.rel @p0 .LBB2_1-.Ltmp2, $4  }
0xa2: {  	[sflag:s29] =	ssyncadd.s32 $0xFFFFE000  }
0xa3: {  	_ =	swait.ge [sflag:s30], $0x2000  }
0xa4: {  	[sflag:s30] =	ssyncset.done $0x0  }
0xa5: {  	[sflag:s30] =	ssyncadd.s32 $0xFFFFE000  }
0xa6: {  	_ =	sfence.sel $0x180000  }
0xa7: {  	[bflag:$0x0] =	sbarrier.arrive $0xFFFF  }
0xa8: {  	_ =	strace $0x90000047  }
0xa9: {  	s0 =	stileid.u32;
	[bflag:$0x2] =	sbarrier.arrive $0xFFFF  }
0xaa: {  	p0 =	sne.s32 s0, $0x0;
	s0 =	rddreg [dreg:$0x4]  }
0xab: {  	s0 =	sadd.s32 @!p0 $0x100000, s0  }
0xac: {  	[sflag:s0] =	ssyncadd.tile.s32 @!p0 $0x1;
	_ =	shalt  }
.Lfunc_end2:
_tile_overlayer_lowered:
.L_overlay_start_2:
0xad: {  	(tag) =	ssettag $0x2  }
0xae: {  	s0 =	rddreg [dreg:$0x0];
	s2 =	stileid.u32  }
0xaf: {  	s1 =	rddreg [dreg:$0x1];
	p0 =	sne.s32 s2, $0x0  }
0xb0: {  	s3 =	rddreg [dreg:$0x2];
	[bflag:$0x3] =	sbarrier.arrive $0xFFFF;
	s2 =	simm.s32 @!p0 $0x1C09  }
0xb1: {  	[timem:s3], [sflag:s2] =	dma.local @!p0 [hbm:s0], s1  }
0xb2: {  	s0 =	simm.s32 @!p0 $0x9  }
0xb3: {  	_ =	swait.ge @!p0 [sflag:s0], s1  }
0xb4: {  	s1 =	ssub.s32 @!p0 $0x0, s1;
	[sflag:s0] =	ssyncset.done @!p0 $0x0  }
0xb5: {  	[sflag:s0] =	ssyncadd.s32 @!p0 s1  }
0xb6: {  	[bflag:$0x3] =	sbarrier.arrive $0xFFFF  }
0xb7: {  	_ =	shalt  }

</sc_bundles>
